<compile_context>
chip_gen: v7x
topology: tpu7x:2x2x1
jax: 0.10.2.dev20260603
libtpu: 0.0.44.dev20260713+nightly
codegen_flags: <defaults>
</compile_context>

<pallas_src>
import functools

import jax
import jax.numpy as jnp
from jax import lax
from jax.experimental import pallas as pl
from jax.experimental.pallas import tpu as pltpu
from jax.experimental.pallas import tpu_sc as plsc

_N = 10000
_E = 320000
_DIN = 128
_HID = 64
_NCLS = 10
_NG = 32
_EPS = 1e-5

_NC = 2
_NS = 16
_NW = _NC * _NS
_EPW = _E // _NW
_CHUNK = 80
_NCHUNK = _EPW // _CHUNK
_RPT = 624
_REM = _N - _RPT * _NS
_REMOFF = _RPT * _NS
_DEGW = 128

_mesh = plsc.VectorSubcoreMesh(core_axis_name="c", subcore_axis_name="s")


@functools.partial(
    pl.kernel,
    mesh=_mesh,
    out_type=jax.ShapeDtypeStruct((_NC, _N, _DEGW), jnp.float32),
    scratch_types=[
        pltpu.VMEM((_NCHUNK, _CHUNK), jnp.int32),
        pltpu.VMEM((_CHUNK, _DEGW), jnp.float32),
        pltpu.VMEM_SHARED((_N, _DEGW), jnp.float32),
        pltpu.SemaphoreType.DMA,
        pltpu.SemaphoreType.DMA,
    ],
)
def _deg_scatter(dst_hbm, ones_hbm, zeros_hbm, out_hbm, dst_v, ones_v, acc_sh,
                 ss0, ss1):
    cid = lax.axis_index("c")
    sid = lax.axis_index("s")
    wid = sid * _NC + cid
    _init_rows(zeros_hbm, acc_sh, sid)
    pltpu.sync_copy(ones_hbm, ones_v)
    pltpu.sync_copy(dst_hbm.at[wid], dst_v)
    plsc.subcore_barrier()
    ss = (ss0, ss1)

    def start(i, b):
        pltpu.async_copy(ones_v, acc_sh.at[dst_v.at[i]], ss[b], add=True)

    def wait(i, b):
        pltpu.make_async_copy(ones_v, acc_sh.at[dst_v.at[i]], ss[b]).wait()

    start(0, 0)
    start(1, 1)

    def body(i2, carry):
        for b in range(2):
            i = 2 * i2 + b
            wait(i - 2, b)
            start(i, b)
        return carry

    lax.fori_loop(1, (_NCHUNK - 1) // 2, body, 0)
    last = _NCHUNK - 1
    wait(last - 2, 0)
    start(last, 0)
    wait(last - 1, 1)
    wait(last, 0)
    plsc.subcore_barrier()
    _write_rows(acc_sh, out_hbm, cid, sid)


def _init_rows(zeros_hbm, acc_sh, sid):
    pltpu.sync_copy(zeros_hbm.at[pl.ds(sid * _RPT, _RPT)],
                    acc_sh.at[pl.ds(sid * _RPT, _RPT)])

    @pl.when(sid == _NS - 1)
    def _():
        pltpu.sync_copy(zeros_hbm.at[pl.ds(_REMOFF, _REM)],
                        acc_sh.at[pl.ds(_REMOFF, _REM)])


def _write_rows(acc_sh, out_hbm, cid, sid):
    pltpu.sync_copy(acc_sh.at[pl.ds(sid * _RPT, _RPT)],
                    out_hbm.at[cid, pl.ds(sid * _RPT, _RPT)])

    @pl.when(sid == _NS - 1)
    def _():
        pltpu.sync_copy(acc_sh.at[pl.ds(_REMOFF, _REM)],
                        out_hbm.at[cid, pl.ds(_REMOFF, _REM)])


def _make_edge(D):
    @functools.partial(
        pl.kernel,
        mesh=_mesh,
        out_type=jax.ShapeDtypeStruct((_NC, _N, D), jnp.float32),
        scratch_types=[
            pltpu.VMEM((_NCHUNK, _CHUNK), jnp.int32),
            pltpu.VMEM((_CHUNK,), jnp.int32),
            pltpu.VMEM((_CHUNK,), jnp.int32),
            pltpu.VMEM((_CHUNK, D), jnp.float32),
            pltpu.VMEM((_CHUNK, D), jnp.float32),
            pltpu.VMEM_SHARED((_N, D), jnp.float32),
            pltpu.SemaphoreType.DMA,
            pltpu.SemaphoreType.DMA,
            pltpu.SemaphoreType.DMA,
            pltpu.SemaphoreType.DMA,
            pltpu.SemaphoreType.DMA,
            pltpu.SemaphoreType.DMA,
        ],
    )
    def edge_k(z_hbm, src_hbm, dst_hbm, zeros_hbm, out_hbm,
               dst_v, si0_v, si1_v, rows0_v, rows1_v, acc_sh,
               sf0, sf1, sg0, sg1, ss0, ss1):
        cid = lax.axis_index("c")
        sid = lax.axis_index("s")
        wid = sid * _NC + cid
        _init_rows(zeros_hbm, acc_sh, sid)
        pltpu.sync_copy(dst_hbm.at[wid], dst_v)
        plsc.subcore_barrier()

        sib = (si0_v, si1_v)
        rows = (rows0_v, rows1_v)
        sf = (sf0, sf1)
        sg = (sg0, sg1)
        ss = (ss0, ss1)
        base = wid * _EPW

        def fetch(i, b):
            return pltpu.make_async_copy(
                src_hbm.at[pl.ds(base + i * _CHUNK, _CHUNK)], sib[b], sf[b])

        def gather(b):
            return pltpu.make_async_copy(z_hbm.at[sib[b]], rows[b], sg[b])

        class _Scatter:
            def __init__(self, i, b):
                self.i, self.b = i, b

            def start(self):
                pltpu.async_copy(rows[self.b], acc_sh.at[dst_v.at[self.i]],
                                 ss[self.b], add=True)

            def wait(self):
                pltpu.make_async_copy(rows[self.b],
                                      acc_sh.at[dst_v.at[self.i]],
                                      ss[self.b]).wait()

        scatter = _Scatter

        last = _NCHUNK - 1

        fetch(0, 0).start()
        fetch(0, 0).wait()
        gather(0).start()
        fetch(1, 1).start()
        gather(0).wait()
        scatter(0, 0).start()
        fetch(1, 1).wait()
        gather(1).start()
        fetch(2, 0).start()
        gather(1).wait()
        scatter(1, 1).start()
        fetch(2, 0).wait()
        scatter(0, 0).wait()
        gather(0).start()
        fetch(3, 1).start()

        def body(i2, carry):
            for b in range(2):
                i = 2 * i2 + b
                gather(b).wait()
                scatter(i - 1, 1 - b).wait()
                scatter(i, b).start()
                fetch(i + 1, 1 - b).wait()
                gather(1 - b).start()

                @pl.when(i + 2 <= last)
                def _():
                    fetch(i + 2, b).start()
            return carry

        lax.fori_loop(1, (_NCHUNK - 1) // 2, body, 0)
        gather(last % 2).wait()
        scatter(last - 1, 1 - last % 2).wait()
        scatter(last, last % 2).start()
        scatter(last, last % 2).wait()
        plsc.subcore_barrier()
        _write_rows(acc_sh, out_hbm, cid, sid)

    return edge_k


_edge128 = _make_edge(2 * _HID)


def _dinv(degp_ref):
    deg = degp_ref[0, :, 0:1] + degp_ref[1, :, 0:1] + 1.0
    return lax.rsqrt(deg)


def _z1_body(x_ref, w_ref, degp_ref, out_ref):
    out_ref[...] = jnp.dot(x_ref[...], w_ref[...],
                           preferred_element_type=jnp.float32) * _dinv(degp_ref)


def _mid_body(sp_ref, z_ref, degp_ref, b_ref, g_ref, be_ref, w2_ref, out_ref):
    dinv = _dinv(degp_ref)
    y = (sp_ref[0] + sp_ref[1] + z_ref[...]) * dinv + b_ref[...]
    m = jnp.mean(y, axis=0, keepdims=True)
    d = y - m
    v = jnp.mean(d * d, axis=0, keepdims=True)
    h = jnp.maximum(g_ref[...] * d * lax.rsqrt(v + _EPS) + be_ref[...], 0.0)
    out_ref[...] = jnp.dot(h, w2_ref[...],
                           preferred_element_type=jnp.float32) * dinv


def _final_body(sp_ref, z_ref, degp_ref, b_ref, g_ref, be_ref, batch_ref,
                wn_ref, bn_ref, wf_ref, bf_ref, out_ref):
    dinv = _dinv(degp_ref)
    y = (sp_ref[0] + sp_ref[1] + z_ref[...]) * dinv + b_ref[...]
    m = jnp.mean(y, axis=0, keepdims=True)
    d = y - m
    v = jnp.mean(d * d, axis=0, keepdims=True)
    h = jnp.maximum(g_ref[...] * d * lax.rsqrt(v + _EPS) + be_ref[...], 0.0)
    gids = lax.broadcasted_iota(jnp.int32, (_NG, _N), 0)
    onehot = jnp.where(gids == batch_ref[...], 1.0, 0.0)
    pooled = jnp.dot(onehot, h, preferred_element_type=jnp.float32)
    p = jnp.dot(pooled, wn_ref[...], preferred_element_type=jnp.float32) + bn_ref[...]
    logits = jnp.dot(p, wf_ref[...], preferred_element_type=jnp.float32) + bf_ref[...]
    mx = jnp.max(logits, axis=1, keepdims=True)
    e = jnp.exp(logits - mx)
    out_ref[...] = (logits - mx) - jnp.log(jnp.sum(e, axis=1, keepdims=True))


def kernel(x, edge_index, batch, image_features, W1, b1, g1, be1,
           W2, b2, g2, be2, Wn, bn, Wf, bf):
    del image_features
    edge_index = edge_index.reshape(2, -1)
    src = edge_index[0]
    dst = edge_index[1].reshape(_NW, _NCHUNK, _CHUNK)

    deg_p = _deg_scatter(dst,
                         jnp.ones((_CHUNK, _DEGW), jnp.float32),
                         jnp.zeros((_N, _DEGW), jnp.float32))

    z1 = pl.pallas_call(
        _z1_body,
        out_shape=jax.ShapeDtypeStruct((_N, 2 * _HID), jnp.float32),
    )(x, W1, deg_p)

    zeros128 = jnp.zeros((_N, 2 * _HID), jnp.float32)
    s1 = _edge128(z1, src, dst, zeros128)

    pad = 2 * _HID - _HID
    w2p = jnp.pad(W2, ((0, 0), (0, pad)))
    z2 = pl.pallas_call(
        _mid_body,
        out_shape=jax.ShapeDtypeStruct((_N, 2 * _HID), jnp.float32),
    )(s1, z1, deg_p, b1.reshape(1, -1), g1.reshape(1, -1),
      be1.reshape(1, -1), w2p)

    s2 = _edge128(z2, src, dst, zeros128)

    out = pl.pallas_call(
        _final_body,
        out_shape=jax.ShapeDtypeStruct((_NG, _NCLS), jnp.float32),
    )(s2, z2, deg_p,
      jnp.pad(b2, (0, pad)).reshape(1, -1),
      jnp.pad(g2, (0, pad)).reshape(1, -1),
      jnp.pad(be2, (0, pad)).reshape(1, -1),
      batch.reshape(1, -1),
      jnp.pad(Wn, ((0, pad), (0, 0))), bn.reshape(1, -1),
      Wf, bf.reshape(1, -1))
    return out

# --- scband reference (transcript-rebuilt; emitter-appended) ---
"""Pipeline reference for scband-gnnmodel-42786464203337 (READ-ONLY COPY).

The authoritative reference and input builder live on the scoring server;
editing this copy changes nothing except your own understanding.
"""

import jax, jax.numpy as jnp
import numpy as np

N_NODES = 10000
N_EDGES = 320000
D_IN = 128
HID = 64
N_CLASSES = 10
N_GRAPHS = 32
EPS = 1e-5


def setup_inputs(seed: int = 0):
    key = jax.random.key(seed)
    ks = jax.random.split(key, 16)

    def lin(k, fi, fo):
        return jax.random.normal(k, (fi, fo), dtype=jnp.float32) / np.sqrt(fi)

    inp = {}
    inp["x"] = jax.random.normal(ks[0], (N_NODES, D_IN), dtype=jnp.float32)
    inp["edge_index"] = jax.random.randint(ks[1], (2, N_EDGES), 0, N_NODES, dtype=jnp.int32)
    inp["batch"] = jnp.sort(jax.random.randint(ks[2], (N_NODES,), 0, N_GRAPHS, dtype=jnp.int32))
    inp["image_features"] = jax.random.normal(ks[3], (N_GRAPHS, 50176), dtype=jnp.float32)
    inp["W1"] = lin(ks[4], D_IN, 2 * HID)
    inp["b1"] = jnp.zeros((2 * HID,), jnp.float32)
    inp["g1"] = jnp.ones((2 * HID,), jnp.float32)
    inp["be1"] = jnp.zeros((2 * HID,), jnp.float32)
    inp["W2"] = lin(ks[5], 2 * HID, HID)
    inp["b2"] = jnp.zeros((HID,), jnp.float32)
    inp["g2"] = jnp.ones((HID,), jnp.float32)
    inp["be2"] = jnp.zeros((HID,), jnp.float32)
    inp["Wn"] = lin(ks[6], HID, HID)
    inp["bn"] = jnp.zeros((HID,), jnp.float32)
    inp["Wf"] = lin(ks[7], HID, N_CLASSES)
    inp["bf"] = jnp.zeros((N_CLASSES,), jnp.float32)
    return inp


def _gcn(x, src, dst, dinv, W, b):
    # GCNConv: symmetric-normalized aggregation with self-loops (loops appended by caller)
    xw = x @ W
    coef = (dinv[src] * dinv[dst])[:, None]
    msg = jnp.take(xw, src, axis=0) * coef
    out = jnp.zeros((x.shape[0], W.shape[1]), x.dtype).at[dst].add(msg)
    return out + b


def _bn(x, g, b):
    # BatchNorm1d in training mode (batch statistics)
    m = jnp.mean(x, axis=0)
    v = jnp.var(x, axis=0)
    return g * (x - m) / jnp.sqrt(v + EPS) + b


def reference(x, edge_index, batch, image_features, W1, b1, g1, be1, W2, b2, g2, be2, Wn, bn, Wf, bf):
    edge_index = edge_index.reshape(2, -1)
    loop = jnp.arange(N_NODES, dtype=edge_index.dtype)
    src = jnp.concatenate([edge_index[0], loop])
    dst = jnp.concatenate([edge_index[1], loop])
    deg = jnp.zeros((N_NODES,), jnp.float32).at[dst].add(1.0)
    dinv = 1.0 / jnp.sqrt(jnp.clip(deg, 1.0))
    h = jax.nn.relu(_bn(_gcn(x, src, dst, dinv, W1, b1), g1, be1))
    h = jax.nn.relu(_bn(_gcn(h, src, dst, dinv, W2, b2), g2, be2))
    pooled = jax.ops.segment_sum(h, batch, num_segments=N_GRAPHS)
    pooled = pooled @ Wn + bn
    # use_image_feats=False -> image branch and dropout skipped
    out = pooled @ Wf + bf
    return jax.nn.log_softmax(out, axis=1)

if __name__ == "__main__":
    import jax
    _d = setup_inputs()
    print(jax.jit(kernel)(*tuple(_d.values())))

</pallas_src>

<mosaic_0001>
#map = affine_map<(d0, d1) -> (0, 0, 0)>
#map1 = affine_map<(d0, d1) -> (0, 0)>
module attributes {stable_mosaic.version = 14 : i64} {
  func.func @_deg_scatter(%arg0: i32, %arg1: i32, %arg2: memref<32x125x80xi32, #tpu.memory_space<hbm>>, %arg3: memref<80x128xf32, #tpu.memory_space<hbm>>, %arg4: memref<10000x128xf32, #tpu.memory_space<hbm>>, %arg5: memref<2x10000x128xf32, #tpu.memory_space<hbm>>, %arg6: memref<125x80xi32, #tpu.memory_space<vmem>>, %arg7: memref<80x128xf32, #tpu.memory_space<vmem>>, %arg8: memref<10000x128xf32, #tpu.memory_space<vmem_shared>>, %arg9: memref<!tpu.dma_semaphore, #tpu.memory_space<semaphore_mem>>, %arg10: memref<!tpu.dma_semaphore, #tpu.memory_space<semaphore_mem>>) attributes {dimension_semantics = [#tpu.dimension_semantics<core_parallel>, #tpu.dimension_semantics<subcore_parallel>], iteration_bounds = array<i64: 2, 16>, scalar_prefetch = 0 : i64, scratch_operands = 5 : i64, tpu.core_type = #tpu.core_type<sc_vector_subcore>, window_params = [{transform_indices = #map}, {transform_indices = #map1}, {transform_indices = #map1}, {transform_indices = #map}]} {
    %mul3A = arith.constant 2 : i32
    %mul3A_0 = arith.muli %arg1, %mul3A : i32
    %add3A = arith.addi %mul3A_0, %arg0 : i32
    %mul3A_1 = arith.constant 624 : i32
    %mul3A_2 = arith.muli %arg1, %mul3A_1 : i32
    %mul3A_3 = arith.constant 624 : i32
    %mul3A_4 = arith.muli %arg1, %mul3A_3 : i32
    "tpu.region"() ({
      %run_scoped3A = tpu.sem_alloc : memref<!tpu.dma_semaphore, #tpu.memory_space<semaphore_mem>>
      %dma_start3A_62 = arith.constant 0 : i32
      %dma_start3A_63 = tpu.memref_slice %arg8[%mul3A_4, %dma_start3A_62] : memref<10000x128xf32, #tpu.memory_space<vmem_shared>> -> memref<624x128xf32, #tpu.memory_space<vmem_shared>>
      %dma_start3A_64 = arith.constant 0 : i32
      %dma_start3A_65 = tpu.memref_slice %arg4[%mul3A_2, %dma_start3A_64] : memref<10000x128xf32, #tpu.memory_space<hbm>> -> memref<624x128xf32, #tpu.memory_space<hbm>>
      tpu.enqueue_dma source(%dma_start3A_65 : memref<624x128xf32, #tpu.memory_space<hbm>>) target(%dma_start3A_63 : memref<624x128xf32, #tpu.memory_space<vmem_shared>>) target_semaphore(%run_scoped3A : memref<!tpu.dma_semaphore, #tpu.memory_space<semaphore_mem>>)
      %dma_wait3A_66 = arith.constant 0 : i32
      %dma_wait3A_67 = tpu.memref_slice %arg8[%mul3A_4, %dma_wait3A_66] : memref<10000x128xf32, #tpu.memory_space<vmem_shared>> -> memref<624x128xf32, #tpu.memory_space<vmem_shared>>
      %dma_wait3A_68 = arith.constant 0 : i32
      %dma_wait3A_69 = tpu.memref_slice %arg4[%mul3A_2, %dma_wait3A_68] : memref<10000x128xf32, #tpu.memory_space<hbm>> -> memref<624x128xf32, #tpu.memory_space<hbm>>
      tpu.wait_dma2 semaphore(%run_scoped3A : memref<!tpu.dma_semaphore, #tpu.memory_space<semaphore_mem>>) src(%dma_wait3A_69 : memref<624x128xf32, #tpu.memory_space<hbm>>) dst(%dma_wait3A_67 : memref<624x128xf32, #tpu.memory_space<vmem_shared>>)
      tpu.yield
    }) : () -> ()
    %eq3A = arith.constant 15 : i32
    %eq3A_5 = arith.cmpi eq, %arg1, %eq3A : i32
    %convert_element_type3A = arith.extui %eq3A_5 : i1 to i32
    %cond3A = arith.constant 0 : i32
    %cond3A_6 = arith.cmpi ne, %convert_element_type3A, %cond3A : i32
    scf.if %cond3A_6 {
      "tpu.region"() ({
        %run_scoped3A = tpu.sem_alloc : memref<!tpu.dma_semaphore, #tpu.memory_space<semaphore_mem>>
        %dma_start3A_62 = arith.constant 9984 : i32
        %dma_start3A_63 = arith.constant 0 : i32
        %dma_start3A_64 = tpu.memref_slice %arg8[%dma_start3A_62, %dma_start3A_63] : memref<10000x128xf32, #tpu.memory_space<vmem_shared>> -> memref<16x128xf32, #tpu.memory_space<vmem_shared>>
        %dma_start3A_65 = arith.constant 9984 : i32
        %dma_start3A_66 = arith.constant 0 : i32
        %dma_start3A_67 = tpu.memref_slice %arg4[%dma_start3A_65, %dma_start3A_66] : memref<10000x128xf32, #tpu.memory_space<hbm>> -> memref<16x128xf32, #tpu.memory_space<hbm>>
        tpu.enqueue_dma source(%dma_start3A_67 : memref<16x128xf32, #tpu.memory_space<hbm>>) target(%dma_start3A_64 : memref<16x128xf32, #tpu.memory_space<vmem_shared>>) target_semaphore(%run_scoped3A : memref<!tpu.dma_semaphore, #tpu.memory_space<semaphore_mem>>)
        %dma_wait3A_68 = arith.constant 9984 : i32
        %dma_wait3A_69 = arith.constant 0 : i32
        %dma_wait3A_70 = tpu.memref_slice %arg8[%dma_wait3A_68, %dma_wait3A_69] : memref<10000x128xf32, #tpu.memory_space<vmem_shared>> -> memref<16x128xf32, #tpu.memory_space<vmem_shared>>
        %dma_wait3A_71 = arith.constant 9984 : i32
        %dma_wait3A_72 = arith.constant 0 : i32
        %dma_wait3A_73 = tpu.memref_slice %arg4[%dma_wait3A_71, %dma_wait3A_72] : memref<10000x128xf32, #tpu.memory_space<hbm>> -> memref<16x128xf32, #tpu.memory_space<hbm>>
        tpu.wait_dma2 semaphore(%run_scoped3A : memref<!tpu.dma_semaphore, #tpu.memory_space<semaphore_mem>>) src(%dma_wait3A_73 : memref<16x128xf32, #tpu.memory_space<hbm>>) dst(%dma_wait3A_70 : memref<16x128xf32, #tpu.memory_space<vmem_shared>>)
        tpu.yield
      }) : () -> ()
    } else {
    }
    "tpu.region"() ({
      %run_scoped3A = tpu.sem_alloc : memref<!tpu.dma_semaphore, #tpu.memory_space<semaphore_mem>>
      tpu.enqueue_dma source(%arg3 : memref<80x128xf32, #tpu.memory_space<hbm>>) target(%arg7 : memref<80x128xf32, #tpu.memory_space<vmem>>) target_semaphore(%run_scoped3A : memref<!tpu.dma_semaphore, #tpu.memory_space<semaphore_mem>>)
      tpu.wait_dma2 semaphore(%run_scoped3A : memref<!tpu.dma_semaphore, #tpu.memory_space<semaphore_mem>>) src(%arg3 : memref<80x128xf32, #tpu.memory_space<hbm>>) dst(%arg7 : memref<80x128xf32, #tpu.memory_space<vmem>>)
      tpu.yield
    }) : () -> ()
    "tpu.region"() ({
      %run_scoped3A = tpu.sem_alloc : memref<!tpu.dma_semaphore, #tpu.memory_space<semaphore_mem>>
      %dma_start3A_62 = arith.constant 0 : i32
      %dma_start3A_63 = arith.constant 0 : i32
      %dma_start3A_64 = tpu.memref_slice %arg2[%add3A, %dma_start3A_62, %dma_start3A_63] : memref<32x125x80xi32, #tpu.memory_space<hbm>> -> memref<1x125x80xi32, #tpu.memory_space<hbm>>
      %dma_start3A_65 = tpu.memref_squeeze %dma_start3A_64 : memref<1x125x80xi32, #tpu.memory_space<hbm>> -> memref<125x80xi32, #tpu.memory_space<hbm>>
      %dma_start3A_66 = arith.constant 0 : i32
      %dma_start3A_67 = arith.constant 0 : i32
      %dma_start3A_68 = tpu.memref_slice %arg2[%add3A, %dma_start3A_66, %dma_start3A_67] : memref<32x125x80xi32, #tpu.memory_space<hbm>> -> memref<1x125x80xi32, #tpu.memory_space<hbm>>
      %dma_start3A_69 = tpu.memref_squeeze %dma_start3A_68 : memref<1x125x80xi32, #tpu.memory_space<hbm>> -> memref<125x80xi32, #tpu.memory_space<hbm>>
      tpu.enqueue_dma source(%dma_start3A_69 : memref<125x80xi32, #tpu.memory_space<hbm>>) target(%arg6 : memref<125x80xi32, #tpu.memory_space<vmem>>) target_semaphore(%run_scoped3A : memref<!tpu.dma_semaphore, #tpu.memory_space<semaphore_mem>>)
      %dma_wait3A_70 = arith.constant 0 : i32
      %dma_wait3A_71 = arith.constant 0 : i32
      %dma_wait3A_72 = tpu.memref_slice %arg2[%add3A, %dma_wait3A_70, %dma_wait3A_71] : memref<32x125x80xi32, #tpu.memory_space<hbm>> -> memref<1x125x80xi32, #tpu.memory_space<hbm>>
      %dma_wait3A_73 = tpu.memref_squeeze %dma_wait3A_72 : memref<1x125x80xi32, #tpu.memory_space<hbm>> -> memref<125x80xi32, #tpu.memory_space<hbm>>
      %dma_wait3A_74 = arith.constant 0 : i32
      %dma_wait3A_75 = arith.constant 0 : i32
      %dma_wait3A_76 = tpu.memref_slice %arg2[%add3A, %dma_wait3A_74, %dma_wait3A_75] : memref<32x125x80xi32, #tpu.memory_space<hbm>> -> memref<1x125x80xi32, #tpu.memory_space<hbm>>
      %dma_wait3A_77 = tpu.memref_squeeze %dma_wait3A_76 : memref<1x125x80xi32, #tpu.memory_space<hbm>> -> memref<125x80xi32, #tpu.memory_space<hbm>>
      tpu.wait_dma2 semaphore(%run_scoped3A : memref<!tpu.dma_semaphore, #tpu.memory_space<semaphore_mem>>) src(%dma_wait3A_77 : memref<125x80xi32, #tpu.memory_space<hbm>>) dst(%arg6 : memref<125x80xi32, #tpu.memory_space<vmem>>)
      tpu.yield
    }) : () -> ()
    %barrier3A = arith.constant 0 : index
    tpu.barrier barrier_id(%barrier3A)
    %dma_start3A = arith.constant 0 : i32
    %dma_start3A_7 = arith.constant 0 : i32
    %dma_start3A_8 = tpu.memref_slice %arg6[%dma_start3A, %dma_start3A_7] : memref<125x80xi32, #tpu.memory_space<vmem>> -> memref<1x80xi32, #tpu.memory_space<vmem>>
    %dma_start3A_9 = tpu.memref_squeeze %dma_start3A_8 : memref<1x80xi32, #tpu.memory_space<vmem>> -> memref<80xi32, #tpu.memory_space<vmem>>
    %dma_start3A_10 = arith.constant 0 : i32
    %dma_start3A_11 = arith.constant 0 : i32
    %dma_start3A_12 = tpu.memref_slice %arg8[%dma_start3A_10, %dma_start3A_11] : memref<10000x128xf32, #tpu.memory_space<vmem_shared>> -> memref<10000x128xf32, #tpu.memory_space<vmem_shared>>
    tpu.enqueue_indirect_dma source(%arg7 : memref<80x128xf32, #tpu.memory_space<vmem>>) target(%dma_start3A_12 : memref<10000x128xf32, #tpu.memory_space<vmem_shared>>) offsets(%dma_start3A_9 : memref<80xi32, #tpu.memory_space<vmem>>) semaphore(%arg9 : memref<!tpu.dma_semaphore, #tpu.memory_space<semaphore_mem>>) {add = true}
    %dma_start3A_13 = arith.constant 1 : i32
    %dma_start3A_14 = arith.constant 0 : i32
    %dma_start3A_15 = tpu.memref_slice %arg6[%dma_start3A_13, %dma_start3A_14] : memref<125x80xi32, #tpu.memory_space<vmem>> -> memref<1x80xi32, #tpu.memory_space<vmem>>
    %dma_start3A_16 = tpu.memref_squeeze %dma_start3A_15 : memref<1x80xi32, #tpu.memory_space<vmem>> -> memref<80xi32, #tpu.memory_space<vmem>>
    %dma_start3A_17 = arith.constant 0 : i32
    %dma_start3A_18 = arith.constant 0 : i32
    %dma_start3A_19 = tpu.memref_slice %arg8[%dma_start3A_17, %dma_start3A_18] : memref<10000x128xf32, #tpu.memory_space<vmem_shared>> -> memref<10000x128xf32, #tpu.memory_space<vmem_shared>>
    tpu.enqueue_indirect_dma source(%arg7 : memref<80x128xf32, #tpu.memory_space<vmem>>) target(%dma_start3A_19 : memref<10000x128xf32, #tpu.memory_space<vmem_shared>>) offsets(%dma_start3A_16 : memref<80xi32, #tpu.memory_space<vmem>>) semaphore(%arg10 : memref<!tpu.dma_semaphore, #tpu.memory_space<semaphore_mem>>) {add = true}
    %scan3A = arith.constant 0 : i32
    %scan3A_20 = arith.constant 1 : i32
    %scan3A_21 = arith.constant 61 : i32
    %scan3A_22 = arith.addi %scan3A_20, %scan3A_21 : i32
    %scan3A_23 = arith.constant 1 : i32
    scf.for %scan3A_62 = %scan3A_20 to %scan3A_22 step %scan3A_23  : i32 {
      %mul3A_63 = arith.constant 2 : i32
      %mul3A_64 = arith.muli %mul3A_63, %scan3A_62 : i32
      %add3A_65 = arith.constant 0 : i32
      %add3A_66 = arith.addi %mul3A_64, %add3A_65 : i32
      %sub3A = arith.constant 2 : i32
      %sub3A_67 = arith.subi %add3A_66, %sub3A : i32
      %dma_wait3A_68 = arith.constant 0 : i32
      %dma_wait3A_69 = tpu.memref_slice %arg6[%sub3A_67, %dma_wait3A_68] : memref<125x80xi32, #tpu.memory_space<vmem>> -> memref<1x80xi32, #tpu.memory_space<vmem>>
      %dma_wait3A_70 = tpu.memref_squeeze %dma_wait3A_69 : memref<1x80xi32, #tpu.memory_space<vmem>> -> memref<80xi32, #tpu.memory_space<vmem>>
      %dma_wait3A_71 = arith.constant 0 : i32
      %dma_wait3A_72 = arith.constant 0 : i32
      %dma_wait3A_73 = tpu.memref_slice %arg8[%dma_wait3A_71, %dma_wait3A_72] : memref<10000x128xf32, #tpu.memory_space<vmem_shared>> -> memref<10000x128xf32, #tpu.memory_space<vmem_shared>>
      tpu.wait_indirect_dma semaphore(%arg9 : memref<!tpu.dma_semaphore, #tpu.memory_space<semaphore_mem>>) src(%arg7 : memref<80x128xf32, #tpu.memory_space<vmem>>) dst(%dma_wait3A_73 : memref<10000x128xf32, #tpu.memory_space<vmem_shared>>)
      %dma_start3A_74 = arith.constant 0 : i32
      %dma_start3A_75 = tpu.memref_slice %arg6[%add3A_66, %dma_start3A_74] : memref<125x80xi32, #tpu.memory_space<vmem>> -> memref<1x80xi32, #tpu.memory_space<vmem>>
      %dma_start3A_76 = tpu.memref_squeeze %dma_start3A_75 : memref<1x80xi32, #tpu.memory_space<vmem>> -> memref<80xi32, #tpu.memory_space<vmem>>
      %dma_start3A_77 = arith.constant 0 : i32
      %dma_start3A_78 = arith.constant 0 : i32
      %dma_start3A_79 = tpu.memref_slice %arg8[%dma_start3A_77, %dma_start3A_78] : memref<10000x128xf32, #tpu.memory_space<vmem_shared>> -> memref<10000x128xf32, #tpu.memory_space<vmem_shared>>
      tpu.enqueue_indirect_dma source(%arg7 : memref<80x128xf32, #tpu.memory_space<vmem>>) target(%dma_start3A_79 : memref<10000x128xf32, #tpu.memory_space<vmem_shared>>) offsets(%dma_start3A_76 : memref<80xi32, #tpu.memory_space<vmem>>) semaphore(%arg9 : memref<!tpu.dma_semaphore, #tpu.memory_space<semaphore_mem>>) {add = true}
      %mul3A_80 = arith.constant 2 : i32
      %mul3A_81 = arith.muli %mul3A_80, %scan3A_62 : i32
      %add3A_82 = arith.constant 1 : i32
      %add3A_83 = arith.addi %mul3A_81, %add3A_82 : i32
      %sub3A_84 = arith.constant 2 : i32
      %sub3A_85 = arith.subi %add3A_83, %sub3A_84 : i32
      %dma_wait3A_86 = arith.constant 0 : i32
      %dma_wait3A_87 = tpu.memref_slice %arg6[%sub3A_85, %dma_wait3A_86] : memref<125x80xi32, #tpu.memory_space<vmem>> -> memref<1x80xi32, #tpu.memory_space<vmem>>
      %dma_wait3A_88 = tpu.memref_squeeze %dma_wait3A_87 : memref<1x80xi32, #tpu.memory_space<vmem>> -> memref<80xi32, #tpu.memory_space<vmem>>
      %dma_wait3A_89 = arith.constant 0 : i32
      %dma_wait3A_90 = arith.constant 0 : i32
      %dma_wait3A_91 = tpu.memref_slice %arg8[%dma_wait3A_89, %dma_wait3A_90] : memref<10000x128xf32, #tpu.memory_space<vmem_shared>> -> memref<10000x128xf32, #tpu.memory_space<vmem_shared>>
      tpu.wait_indirect_dma semaphore(%arg10 : memref<!tpu.dma_semaphore, #tpu.memory_space<semaphore_mem>>) src(%arg7 : memref<80x128xf32, #tpu.memory_space<vmem>>) dst(%dma_wait3A_91 : memref<10000x128xf32, #tpu.memory_space<vmem_shared>>)
      %dma_start3A_92 = arith.constant 0 : i32
      %dma_start3A_93 = tpu.memref_slice %arg6[%add3A_83, %dma_start3A_92] : memref<125x80xi32, #tpu.memory_space<vmem>> -> memref<1x80xi32, #tpu.memory_space<vmem>>
      %dma_start3A_94 = tpu.memref_squeeze %dma_start3A_93 : memref<1x80xi32, #tpu.memory_space<vmem>> -> memref<80xi32, #tpu.memory_space<vmem>>
      %dma_start3A_95 = arith.constant 0 : i32
      %dma_start3A_96 = arith.constant 0 : i32
      %dma_start3A_97 = tpu.memref_slice %arg8[%dma_start3A_95, %dma_start3A_96] : memref<10000x128xf32, #tpu.memory_space<vmem_shared>> -> memref<10000x128xf32, #tpu.memory_space<vmem_shared>>
      tpu.enqueue_indirect_dma source(%arg7 : memref<80x128xf32, #tpu.memory_space<vmem>>) target(%dma_start3A_97 : memref<10000x128xf32, #tpu.memory_space<vmem_shared>>) offsets(%dma_start3A_94 : memref<80xi32, #tpu.memory_space<vmem>>) semaphore(%arg10 : memref<!tpu.dma_semaphore, #tpu.memory_space<semaphore_mem>>) {add = true}
    }
    %scan3A_24 = arith.constant 61 : i32
    %dma_wait3A = arith.constant 122 : i32
    %dma_wait3A_25 = arith.constant 0 : i32
    %dma_wait3A_26 = tpu.memref_slice %arg6[%dma_wait3A, %dma_wait3A_25] : memref<125x80xi32, #tpu.memory_space<vmem>> -> memref<1x80xi32, #tpu.memory_space<vmem>>
    %dma_wait3A_27 = tpu.memref_squeeze %dma_wait3A_26 : memref<1x80xi32, #tpu.memory_space<vmem>> -> memref<80xi32, #tpu.memory_space<vmem>>
    %dma_wait3A_28 = arith.constant 0 : i32
    %dma_wait3A_29 = arith.constant 0 : i32
    %dma_wait3A_30 = tpu.memref_slice %arg8[%dma_wait3A_28, %dma_wait3A_29] : memref<10000x128xf32, #tpu.memory_space<vmem_shared>> -> memref<10000x128xf32, #tpu.memory_space<vmem_shared>>
    tpu.wait_indirect_dma semaphore(%arg9 : memref<!tpu.dma_semaphore, #tpu.memory_space<semaphore_mem>>) src(%arg7 : memref<80x128xf32, #tpu.memory_space<vmem>>) dst(%dma_wait3A_30 : memref<10000x128xf32, #tpu.memory_space<vmem_shared>>)
    %dma_start3A_31 = arith.constant 124 : i32
    %dma_start3A_32 = arith.constant 0 : i32
    %dma_start3A_33 = tpu.memref_slice %arg6[%dma_start3A_31, %dma_start3A_32] : memref<125x80xi32, #tpu.memory_space<vmem>> -> memref<1x80xi32, #tpu.memory_space<vmem>>
    %dma_start3A_34 = tpu.memref_squeeze %dma_start3A_33 : memref<1x80xi32, #tpu.memory_space<vmem>> -> memref<80xi32, #tpu.memory_space<vmem>>
    %dma_start3A_35 = arith.constant 0 : i32
    %dma_start3A_36 = arith.constant 0 : i32
    %dma_start3A_37 = tpu.memref_slice %arg8[%dma_start3A_35, %dma_start3A_36] : memref<10000x128xf32, #tpu.memory_space<vmem_shared>> -> memref<10000x128xf32, #tpu.memory_space<vmem_shared>>
    tpu.enqueue_indirect_dma source(%arg7 : memref<80x128xf32, #tpu.memory_space<vmem>>) target(%dma_start3A_37 : memref<10000x128xf32, #tpu.memory_space<vmem_shared>>) offsets(%dma_start3A_34 : memref<80xi32, #tpu.memory_space<vmem>>) semaphore(%arg9 : memref<!tpu.dma_semaphore, #tpu.memory_space<semaphore_mem>>) {add = true}
    %dma_wait3A_38 = arith.constant 123 : i32
    %dma_wait3A_39 = arith.constant 0 : i32
    %dma_wait3A_40 = tpu.memref_slice %arg6[%dma_wait3A_38, %dma_wait3A_39] : memref<125x80xi32, #tpu.memory_space<vmem>> -> memref<1x80xi32, #tpu.memory_space<vmem>>
    %dma_wait3A_41 = tpu.memref_squeeze %dma_wait3A_40 : memref<1x80xi32, #tpu.memory_space<vmem>> -> memref<80xi32, #tpu.memory_space<vmem>>
    %dma_wait3A_42 = arith.constant 0 : i32
    %dma_wait3A_43 = arith.constant 0 : i32
    %dma_wait3A_44 = tpu.memref_slice %arg8[%dma_wait3A_42, %dma_wait3A_43] : memref<10000x128xf32, #tpu.memory_space<vmem_shared>> -> memref<10000x128xf32, #tpu.memory_space<vmem_shared>>
    tpu.wait_indirect_dma semaphore(%arg10 : memref<!tpu.dma_semaphore, #tpu.memory_space<semaphore_mem>>) src(%arg7 : memref<80x128xf32, #tpu.memory_space<vmem>>) dst(%dma_wait3A_44 : memref<10000x128xf32, #tpu.memory_space<vmem_shared>>)
    %dma_wait3A_45 = arith.constant 124 : i32
    %dma_wait3A_46 = arith.constant 0 : i32
    %dma_wait3A_47 = tpu.memref_slice %arg6[%dma_wait3A_45, %dma_wait3A_46] : memref<125x80xi32, #tpu.memory_space<vmem>> -> memref<1x80xi32, #tpu.memory_space<vmem>>
    %dma_wait3A_48 = tpu.memref_squeeze %dma_wait3A_47 : memref<1x80xi32, #tpu.memory_space<vmem>> -> memref<80xi32, #tpu.memory_space<vmem>>
    %dma_wait3A_49 = arith.constant 0 : i32
    %dma_wait3A_50 = arith.constant 0 : i32
    %dma_wait3A_51 = tpu.memref_slice %arg8[%dma_wait3A_49, %dma_wait3A_50] : memref<10000x128xf32, #tpu.memory_space<vmem_shared>> -> memref<10000x128xf32, #tpu.memory_space<vmem_shared>>
    tpu.wait_indirect_dma semaphore(%arg9 : memref<!tpu.dma_semaphore, #tpu.memory_space<semaphore_mem>>) src(%arg7 : memref<80x128xf32, #tpu.memory_space<vmem>>) dst(%dma_wait3A_51 : memref<10000x128xf32, #tpu.memory_space<vmem_shared>>)
    %barrier3A_52 = arith.constant 0 : index
    tpu.barrier barrier_id(%barrier3A_52)
    %mul3A_53 = arith.constant 624 : i32
    %mul3A_54 = arith.muli %arg1, %mul3A_53 : i32
    %mul3A_55 = arith.constant 624 : i32
    %mul3A_56 = arith.muli %arg1, %mul3A_55 : i32
    "tpu.region"() ({
      %run_scoped3A = tpu.sem_alloc : memref<!tpu.dma_semaphore, #tpu.memory_space<semaphore_mem>>
      %dma_start3A_62 = arith.constant 0 : i32
      %dma_start3A_63 = tpu.memref_slice %arg5[%arg0, %mul3A_56, %dma_start3A_62] : memref<2x10000x128xf32, #tpu.memory_space<hbm>> -> memref<1x624x128xf32, #tpu.memory_space<hbm>>
      %dma_start3A_64 = tpu.memref_squeeze %dma_start3A_63 : memref<1x624x128xf32, #tpu.memory_space<hbm>> -> memref<624x128xf32, #tpu.memory_space<hbm>>
      %dma_start3A_65 = arith.constant 0 : i32
      %dma_start3A_66 = tpu.memref_slice %arg8[%mul3A_54, %dma_start3A_65] : memref<10000x128xf32, #tpu.memory_space<vmem_shared>> -> memref<624x128xf32, #tpu.memory_space<vmem_shared>>
      tpu.enqueue_dma source(%dma_start3A_66 : memref<624x128xf32, #tpu.memory_space<vmem_shared>>) target(%dma_start3A_64 : memref<624x128xf32, #tpu.memory_space<hbm>>) target_semaphore(%run_scoped3A : memref<!tpu.dma_semaphore, #tpu.memory_space<semaphore_mem>>)
      %dma_wait3A_67 = arith.constant 0 : i32
      %dma_wait3A_68 = tpu.memref_slice %arg5[%arg0, %mul3A_56, %dma_wait3A_67] : memref<2x10000x128xf32, #tpu.memory_space<hbm>> -> memref<1x624x128xf32, #tpu.memory_space<hbm>>
      %dma_wait3A_69 = tpu.memref_squeeze %dma_wait3A_68 : memref<1x624x128xf32, #tpu.memory_space<hbm>> -> memref<624x128xf32, #tpu.memory_space<hbm>>
      %dma_wait3A_70 = arith.constant 0 : i32
      %dma_wait3A_71 = tpu.memref_slice %arg8[%mul3A_54, %dma_wait3A_70] : memref<10000x128xf32, #tpu.memory_space<vmem_shared>> -> memref<624x128xf32, #tpu.memory_space<vmem_shared>>
      tpu.wait_dma2 semaphore(%run_scoped3A : memref<!tpu.dma_semaphore, #tpu.memory_space<semaphore_mem>>) src(%dma_wait3A_71 : memref<624x128xf32, #tpu.memory_space<vmem_shared>>) dst(%dma_wait3A_69 : memref<624x128xf32, #tpu.memory_space<hbm>>)
      tpu.yield
    }) : () -> ()
    %eq3A_57 = arith.constant 15 : i32
    %eq3A_58 = arith.cmpi eq, %arg1, %eq3A_57 : i32
    %convert_element_type3A_59 = arith.extui %eq3A_58 : i1 to i32
    %cond3A_60 = arith.constant 0 : i32
    %cond3A_61 = arith.cmpi ne, %convert_element_type3A_59, %cond3A_60 : i32
    scf.if %cond3A_61 {
      "tpu.region"() ({
        %run_scoped3A = tpu.sem_alloc : memref<!tpu.dma_semaphore, #tpu.memory_space<semaphore_mem>>
        %dma_start3A_62 = arith.constant 9984 : i32
        %dma_start3A_63 = arith.constant 0 : i32
        %dma_start3A_64 = tpu.memref_slice %arg5[%arg0, %dma_start3A_62, %dma_start3A_63] : memref<2x10000x128xf32, #tpu.memory_space<hbm>> -> memref<1x16x128xf32, #tpu.memory_space<hbm>>
        %dma_start3A_65 = tpu.memref_squeeze %dma_start3A_64 : memref<1x16x128xf32, #tpu.memory_space<hbm>> -> memref<16x128xf32, #tpu.memory_space<hbm>>
        %dma_start3A_66 = arith.constant 9984 : i32
        %dma_start3A_67 = arith.constant 0 : i32
        %dma_start3A_68 = tpu.memref_slice %arg8[%dma_start3A_66, %dma_start3A_67] : memref<10000x128xf32, #tpu.memory_space<vmem_shared>> -> memref<16x128xf32, #tpu.memory_space<vmem_shared>>
        tpu.enqueue_dma source(%dma_start3A_68 : memref<16x128xf32, #tpu.memory_space<vmem_shared>>) target(%dma_start3A_65 : memref<16x128xf32, #tpu.memory_space<hbm>>) target_semaphore(%run_scoped3A : memref<!tpu.dma_semaphore, #tpu.memory_space<semaphore_mem>>)
        %dma_wait3A_69 = arith.constant 9984 : i32
        %dma_wait3A_70 = arith.constant 0 : i32
        %dma_wait3A_71 = tpu.memref_slice %arg5[%arg0, %dma_wait3A_69, %dma_wait3A_70] : memref<2x10000x128xf32, #tpu.memory_space<hbm>> -> memref<1x16x128xf32, #tpu.memory_space<hbm>>
        %dma_wait3A_72 = tpu.memref_squeeze %dma_wait3A_71 : memref<1x16x128xf32, #tpu.memory_space<hbm>> -> memref<16x128xf32, #tpu.memory_space<hbm>>
        %dma_wait3A_73 = arith.constant 9984 : i32
        %dma_wait3A_74 = arith.constant 0 : i32
        %dma_wait3A_75 = tpu.memref_slice %arg8[%dma_wait3A_73, %dma_wait3A_74] : memref<10000x128xf32, #tpu.memory_space<vmem_shared>> -> memref<16x128xf32, #tpu.memory_space<vmem_shared>>
        tpu.wait_dma2 semaphore(%run_scoped3A : memref<!tpu.dma_semaphore, #tpu.memory_space<semaphore_mem>>) src(%dma_wait3A_75 : memref<16x128xf32, #tpu.memory_space<vmem_shared>>) dst(%dma_wait3A_72 : memref<16x128xf32, #tpu.memory_space<hbm>>)
        tpu.yield
      }) : () -> ()
    } else {
    }
    return
  }
}

#map = affine_map<(d0, d1) -> (0, 0)>
#map1 = affine_map<(d0, d1) -> (0)>
#map2 = affine_map<(d0, d1) -> (0, 0, 0)>
module attributes {stable_mosaic.version = 14 : i64} {
  func.func @edge_k(%arg0: i32, %arg1: i32, %arg2: memref<10000x128xf32, #tpu.memory_space<hbm>>, %arg3: memref<320000xi32, #tpu.memory_space<hbm>>, %arg4: memref<32x125x80xi32, #tpu.memory_space<hbm>>, %arg5: memref<10000x128xf32, #tpu.memory_space<hbm>>, %arg6: memref<2x10000x128xf32, #tpu.memory_space<hbm>>, %arg7: memref<125x80xi32, #tpu.memory_space<vmem>>, %arg8: memref<80xi32, #tpu.memory_space<vmem>>, %arg9: memref<80xi32, #tpu.memory_space<vmem>>, %arg10: memref<80x128xf32, #tpu.memory_space<vmem>>, %arg11: memref<80x128xf32, #tpu.memory_space<vmem>>, %arg12: memref<10000x128xf32, #tpu.memory_space<vmem_shared>>, %arg13: memref<!tpu.dma_semaphore, #tpu.memory_space<semaphore_mem>>, %arg14: memref<!tpu.dma_semaphore, #tpu.memory_space<semaphore_mem>>, %arg15: memref<!tpu.dma_semaphore, #tpu.memory_space<semaphore_mem>>, %arg16: memref<!tpu.dma_semaphore, #tpu.memory_space<semaphore_mem>>, %arg17: memref<!tpu.dma_semaphore, #tpu.memory_space<semaphore_mem>>, %arg18: memref<!tpu.dma_semaphore, #tpu.memory_space<semaphore_mem>>) attributes {dimension_semantics = [#tpu.dimension_semantics<core_parallel>, #tpu.dimension_semantics<subcore_parallel>], iteration_bounds = array<i64: 2, 16>, scalar_prefetch = 0 : i64, scratch_operands = 12 : i64, tpu.core_type = #tpu.core_type<sc_vector_subcore>, window_params = [{transform_indices = #map}, {transform_indices = #map1}, {transform_indices = #map2}, {transform_indices = #map}, {transform_indices = #map2}]} {
    %mul3A = arith.constant 2 : i32
    %mul3A_0 = arith.muli %arg1, %mul3A : i32
    %add3A = arith.addi %mul3A_0, %arg0 : i32
    %mul3A_1 = arith.constant 624 : i32
    %mul3A_2 = arith.muli %arg1, %mul3A_1 : i32
    %mul3A_3 = arith.constant 624 : i32
    %mul3A_4 = arith.muli %arg1, %mul3A_3 : i32
    "tpu.region"() ({
      %run_scoped3A = tpu.sem_alloc : memref<!tpu.dma_semaphore, #tpu.memory_space<semaphore_mem>>
      %dma_start3A_110 = arith.constant 0 : i32
      %dma_start3A_111 = tpu.memref_slice %arg12[%mul3A_4, %dma_start3A_110] : memref<10000x128xf32, #tpu.memory_space<vmem_shared>> -> memref<624x128xf32, #tpu.memory_space<vmem_shared>>
      %dma_start3A_112 = arith.constant 0 : i32
      %dma_start3A_113 = tpu.memref_slice %arg5[%mul3A_2, %dma_start3A_112] : memref<10000x128xf32, #tpu.memory_space<hbm>> -> memref<624x128xf32, #tpu.memory_space<hbm>>
      tpu.enqueue_dma source(%dma_start3A_113 : memref<624x128xf32, #tpu.memory_space<hbm>>) target(%dma_start3A_111 : memref<624x128xf32, #tpu.memory_space<vmem_shared>>) target_semaphore(%run_scoped3A : memref<!tpu.dma_semaphore, #tpu.memory_space<semaphore_mem>>)
      %dma_wait3A_114 = arith.constant 0 : i32
      %dma_wait3A_115 = tpu.memref_slice %arg12[%mul3A_4, %dma_wait3A_114] : memref<10000x128xf32, #tpu.memory_space<vmem_shared>> -> memref<624x128xf32, #tpu.memory_space<vmem_shared>>
      %dma_wait3A_116 = arith.constant 0 : i32
      %dma_wait3A_117 = tpu.memref_slice %arg5[%mul3A_2, %dma_wait3A_116] : memref<10000x128xf32, #tpu.memory_space<hbm>> -> memref<624x128xf32, #tpu.memory_space<hbm>>
      tpu.wait_dma2 semaphore(%run_scoped3A : memref<!tpu.dma_semaphore, #tpu.memory_space<semaphore_mem>>) src(%dma_wait3A_117 : memref<624x128xf32, #tpu.memory_space<hbm>>) dst(%dma_wait3A_115 : memref<624x128xf32, #tpu.memory_space<vmem_shared>>)
      tpu.yield
    }) : () -> ()
    %eq3A = arith.constant 15 : i32
    %eq3A_5 = arith.cmpi eq, %arg1, %eq3A : i32
    %convert_element_type3A = arith.extui %eq3A_5 : i1 to i32
    %cond3A = arith.constant 0 : i32
    %cond3A_6 = arith.cmpi ne, %convert_element_type3A, %cond3A : i32
    scf.if %cond3A_6 {
      "tpu.region"() ({
        %run_scoped3A = tpu.sem_alloc : memref<!tpu.dma_semaphore, #tpu.memory_space<semaphore_mem>>
        %dma_start3A_110 = arith.constant 9984 : i32
        %dma_start3A_111 = arith.constant 0 : i32
        %dma_start3A_112 = tpu.memref_slice %arg12[%dma_start3A_110, %dma_start3A_111] : memref<10000x128xf32, #tpu.memory_space<vmem_shared>> -> memref<16x128xf32, #tpu.memory_space<vmem_shared>>
        %dma_start3A_113 = arith.constant 9984 : i32
        %dma_start3A_114 = arith.constant 0 : i32
        %dma_start3A_115 = tpu.memref_slice %arg5[%dma_start3A_113, %dma_start3A_114] : memref<10000x128xf32, #tpu.memory_space<hbm>> -> memref<16x128xf32, #tpu.memory_space<hbm>>
        tpu.enqueue_dma source(%dma_start3A_115 : memref<16x128xf32, #tpu.memory_space<hbm>>) target(%dma_start3A_112 : memref<16x128xf32, #tpu.memory_space<vmem_shared>>) target_semaphore(%run_scoped3A : memref<!tpu.dma_semaphore, #tpu.memory_space<semaphore_mem>>)
        %dma_wait3A_116 = arith.constant 9984 : i32
        %dma_wait3A_117 = arith.constant 0 : i32
        %dma_wait3A_118 = tpu.memref_slice %arg12[%dma_wait3A_116, %dma_wait3A_117] : memref<10000x128xf32, #tpu.memory_space<vmem_shared>> -> memref<16x128xf32, #tpu.memory_space<vmem_shared>>
        %dma_wait3A_119 = arith.constant 9984 : i32
        %dma_wait3A_120 = arith.constant 0 : i32
        %dma_wait3A_121 = tpu.memref_slice %arg5[%dma_wait3A_119, %dma_wait3A_120] : memref<10000x128xf32, #tpu.memory_space<hbm>> -> memref<16x128xf32, #tpu.memory_space<hbm>>
        tpu.wait_dma2 semaphore(%run_scoped3A : memref<!tpu.dma_semaphore, #tpu.memory_space<semaphore_mem>>) src(%dma_wait3A_121 : memref<16x128xf32, #tpu.memory_space<hbm>>) dst(%dma_wait3A_118 : memref<16x128xf32, #tpu.memory_space<vmem_shared>>)
        tpu.yield
      }) : () -> ()
    } else {
    }
    "tpu.region"() ({
      %run_scoped3A = tpu.sem_alloc : memref<!tpu.dma_semaphore, #tpu.memory_space<semaphore_mem>>
      %dma_start3A_110 = arith.constant 0 : i32
      %dma_start3A_111 = arith.constant 0 : i32
      %dma_start3A_112 = tpu.memref_slice %arg4[%add3A, %dma_start3A_110, %dma_start3A_111] : memref<32x125x80xi32, #tpu.memory_space<hbm>> -> memref<1x125x80xi32, #tpu.memory_space<hbm>>
      %dma_start3A_113 = tpu.memref_squeeze %dma_start3A_112 : memref<1x125x80xi32, #tpu.memory_space<hbm>> -> memref<125x80xi32, #tpu.memory_space<hbm>>
      %dma_start3A_114 = arith.constant 0 : i32
      %dma_start3A_115 = arith.constant 0 : i32
      %dma_start3A_116 = tpu.memref_slice %arg4[%add3A, %dma_start3A_114, %dma_start3A_115] : memref<32x125x80xi32, #tpu.memory_space<hbm>> -> memref<1x125x80xi32, #tpu.memory_space<hbm>>
      %dma_start3A_117 = tpu.memref_squeeze %dma_start3A_116 : memref<1x125x80xi32, #tpu.memory_space<hbm>> -> memref<125x80xi32, #tpu.memory_space<hbm>>
      tpu.enqueue_dma source(%dma_start3A_117 : memref<125x80xi32, #tpu.memory_space<hbm>>) target(%arg7 : memref<125x80xi32, #tpu.memory_space<vmem>>) target_semaphore(%run_scoped3A : memref<!tpu.dma_semaphore, #tpu.memory_space<semaphore_mem>>)
      %dma_wait3A_118 = arith.constant 0 : i32
      %dma_wait3A_119 = arith.constant 0 : i32
      %dma_wait3A_120 = tpu.memref_slice %arg4[%add3A, %dma_wait3A_118, %dma_wait3A_119] : memref<32x125x80xi32, #tpu.memory_space<hbm>> -> memref<1x125x80xi32, #tpu.memory_space<hbm>>
      %dma_wait3A_121 = tpu.memref_squeeze %dma_wait3A_120 : memref<1x125x80xi32, #tpu.memory_space<hbm>> -> memref<125x80xi32, #tpu.memory_space<hbm>>
      %dma_wait3A_122 = arith.constant 0 : i32
      %dma_wait3A_123 = arith.constant 0 : i32
      %dma_wait3A_124 = tpu.memref_slice %arg4[%add3A, %dma_wait3A_122, %dma_wait3A_123] : memref<32x125x80xi32, #tpu.memory_space<hbm>> -> memref<1x125x80xi32, #tpu.memory_space<hbm>>
      %dma_wait3A_125 = tpu.memref_squeeze %dma_wait3A_124 : memref<1x125x80xi32, #tpu.memory_space<hbm>> -> memref<125x80xi32, #tpu.memory_space<hbm>>
      tpu.wait_dma2 semaphore(%run_scoped3A : memref<!tpu.dma_semaphore, #tpu.memory_space<semaphore_mem>>) src(%dma_wait3A_125 : memref<125x80xi32, #tpu.memory_space<hbm>>) dst(%arg7 : memref<125x80xi32, #tpu.memory_space<vmem>>)
      tpu.yield
    }) : () -> ()
    %barrier3A = arith.constant 0 : index
    tpu.barrier barrier_id(%barrier3A)
    %mul3A_7 = arith.constant 10000 : i32
    %mul3A_8 = arith.muli %add3A, %mul3A_7 : i32
    %add3A_9 = arith.constant 0 : i32
    %add3A_10 = arith.addi %mul3A_8, %add3A_9 : i32
    %dma_start3A = tpu.memref_slice %arg3[%add3A_10] : memref<320000xi32, #tpu.memory_space<hbm>> -> memref<80xi32, #tpu.memory_space<hbm>>
    %dma_start3A_11 = tpu.memref_slice %arg3[%add3A_10] : memref<320000xi32, #tpu.memory_space<hbm>> -> memref<80xi32, #tpu.memory_space<hbm>>
    tpu.enqueue_dma source(%dma_start3A_11 : memref<80xi32, #tpu.memory_space<hbm>>) target(%arg8 : memref<80xi32, #tpu.memory_space<vmem>>) target_semaphore(%arg13 : memref<!tpu.dma_semaphore, #tpu.memory_space<semaphore_mem>>)
    %add3A_12 = arith.constant 0 : i32
    %add3A_13 = arith.addi %mul3A_8, %add3A_12 : i32
    %dma_wait3A = tpu.memref_slice %arg3[%add3A_13] : memref<320000xi32, #tpu.memory_space<hbm>> -> memref<80xi32, #tpu.memory_space<hbm>>
    %dma_wait3A_14 = tpu.memref_slice %arg3[%add3A_13] : memref<320000xi32, #tpu.memory_space<hbm>> -> memref<80xi32, #tpu.memory_space<hbm>>
    tpu.wait_dma2 semaphore(%arg13 : memref<!tpu.dma_semaphore, #tpu.memory_space<semaphore_mem>>) src(%dma_wait3A_14 : memref<80xi32, #tpu.memory_space<hbm>>) dst(%arg8 : memref<80xi32, #tpu.memory_space<vmem>>)
    %dma_start3A_15 = arith.constant 0 : i32
    %dma_start3A_16 = arith.constant 0 : i32
    %dma_start3A_17 = tpu.memref_slice %arg2[%dma_start3A_15, %dma_start3A_16] : memref<10000x128xf32, #tpu.memory_space<hbm>> -> memref<10000x128xf32, #tpu.memory_space<hbm>>
    tpu.enqueue_indirect_dma source(%dma_start3A_17 : memref<10000x128xf32, #tpu.memory_space<hbm>>) target(%arg10 : memref<80x128xf32, #tpu.memory_space<vmem>>) offsets(%arg8 : memref<80xi32, #tpu.memory_space<vmem>>) semaphore(%arg15 : memref<!tpu.dma_semaphore, #tpu.memory_space<semaphore_mem>>)
    %add3A_18 = arith.constant 80 : i32
    %add3A_19 = arith.addi %mul3A_8, %add3A_18 : i32
    %dma_start3A_20 = tpu.memref_slice %arg3[%add3A_19] : memref<320000xi32, #tpu.memory_space<hbm>> -> memref<80xi32, #tpu.memory_space<hbm>>
    %dma_start3A_21 = tpu.memref_slice %arg3[%add3A_19] : memref<320000xi32, #tpu.memory_space<hbm>> -> memref<80xi32, #tpu.memory_space<hbm>>
    tpu.enqueue_dma source(%dma_start3A_21 : memref<80xi32, #tpu.memory_space<hbm>>) target(%arg9 : memref<80xi32, #tpu.memory_space<vmem>>) target_semaphore(%arg14 : memref<!tpu.dma_semaphore, #tpu.memory_space<semaphore_mem>>)
    %dma_wait3A_22 = arith.constant 0 : i32
    %dma_wait3A_23 = arith.constant 0 : i32
    %dma_wait3A_24 = tpu.memref_slice %arg2[%dma_wait3A_22, %dma_wait3A_23] : memref<10000x128xf32, #tpu.memory_space<hbm>> -> memref<10000x128xf32, #tpu.memory_space<hbm>>
    tpu.wait_indirect_dma semaphore(%arg15 : memref<!tpu.dma_semaphore, #tpu.memory_space<semaphore_mem>>) src(%dma_wait3A_24 : memref<10000x128xf32, #tpu.memory_space<hbm>>) dst(%arg10 : memref<80x128xf32, #tpu.memory_space<vmem>>)
    %dma_start3A_25 = arith.constant 0 : i32
    %dma_start3A_26 = arith.constant 0 : i32
    %dma_start3A_27 = tpu.memref_slice %arg7[%dma_start3A_25, %dma_start3A_26] : memref<125x80xi32, #tpu.memory_space<vmem>> -> memref<1x80xi32, #tpu.memory_space<vmem>>
    %dma_start3A_28 = tpu.memref_squeeze %dma_start3A_27 : memref<1x80xi32, #tpu.memory_space<vmem>> -> memref<80xi32, #tpu.memory_space<vmem>>
    %dma_start3A_29 = arith.constant 0 : i32
    %dma_start3A_30 = arith.constant 0 : i32
    %dma_start3A_31 = tpu.memref_slice %arg12[%dma_start3A_29, %dma_start3A_30] : memref<10000x128xf32, #tpu.memory_space<vmem_shared>> -> memref<10000x128xf32, #tpu.memory_space<vmem_shared>>
    tpu.enqueue_indirect_dma source(%arg10 : memref<80x128xf32, #tpu.memory_space<vmem>>) target(%dma_start3A_31 : memref<10000x128xf32, #tpu.memory_space<vmem_shared>>) offsets(%dma_start3A_28 : memref<80xi32, #tpu.memory_space<vmem>>) semaphore(%arg17 : memref<!tpu.dma_semaphore, #tpu.memory_space<semaphore_mem>>) {add = true}
    %add3A_32 = arith.constant 80 : i32
    %add3A_33 = arith.addi %mul3A_8, %add3A_32 : i32
    %dma_wait3A_34 = tpu.memref_slice %arg3[%add3A_33] : memref<320000xi32, #tpu.memory_space<hbm>> -> memref<80xi32, #tpu.memory_space<hbm>>
    %dma_wait3A_35 = tpu.memref_slice %arg3[%add3A_33] : memref<320000xi32, #tpu.memory_space<hbm>> -> memref<80xi32, #tpu.memory_space<hbm>>
    tpu.wait_dma2 semaphore(%arg14 : memref<!tpu.dma_semaphore, #tpu.memory_space<semaphore_mem>>) src(%dma_wait3A_35 : memref<80xi32, #tpu.memory_space<hbm>>) dst(%arg9 : memref<80xi32, #tpu.memory_space<vmem>>)
    %dma_start3A_36 = arith.constant 0 : i32
    %dma_start3A_37 = arith.constant 0 : i32
    %dma_start3A_38 = tpu.memref_slice %arg2[%dma_start3A_36, %dma_start3A_37] : memref<10000x128xf32, #tpu.memory_space<hbm>> -> memref<10000x128xf32, #tpu.memory_space<hbm>>
    tpu.enqueue_indirect_dma source(%dma_start3A_38 : memref<10000x128xf32, #tpu.memory_space<hbm>>) target(%arg11 : memref<80x128xf32, #tpu.memory_space<vmem>>) offsets(%arg9 : memref<80xi32, #tpu.memory_space<vmem>>) semaphore(%arg16 : memref<!tpu.dma_semaphore, #tpu.memory_space<semaphore_mem>>)
    %add3A_39 = arith.constant 160 : i32
    %add3A_40 = arith.addi %mul3A_8, %add3A_39 : i32
    %dma_start3A_41 = tpu.memref_slice %arg3[%add3A_40] : memref<320000xi32, #tpu.memory_space<hbm>> -> memref<80xi32, #tpu.memory_space<hbm>>
    %dma_start3A_42 = tpu.memref_slice %arg3[%add3A_40] : memref<320000xi32, #tpu.memory_space<hbm>> -> memref<80xi32, #tpu.memory_space<hbm>>
    tpu.enqueue_dma source(%dma_start3A_42 : memref<80xi32, #tpu.memory_space<hbm>>) target(%arg8 : memref<80xi32, #tpu.memory_space<vmem>>) target_semaphore(%arg13 : memref<!tpu.dma_semaphore, #tpu.memory_space<semaphore_mem>>)
    %dma_wait3A_43 = arith.constant 0 : i32
    %dma_wait3A_44 = arith.constant 0 : i32
    %dma_wait3A_45 = tpu.memref_slice %arg2[%dma_wait3A_43, %dma_wait3A_44] : memref<10000x128xf32, #tpu.memory_space<hbm>> -> memref<10000x128xf32, #tpu.memory_space<hbm>>
    tpu.wait_indirect_dma semaphore(%arg16 : memref<!tpu.dma_semaphore, #tpu.memory_space<semaphore_mem>>) src(%dma_wait3A_45 : memref<10000x128xf32, #tpu.memory_space<hbm>>) dst(%arg11 : memref<80x128xf32, #tpu.memory_space<vmem>>)
    %dma_start3A_46 = arith.constant 1 : i32
    %dma_start3A_47 = arith.constant 0 : i32
    %dma_start3A_48 = tpu.memref_slice %arg7[%dma_start3A_46, %dma_start3A_47] : memref<125x80xi32, #tpu.memory_space<vmem>> -> memref<1x80xi32, #tpu.memory_space<vmem>>
    %dma_start3A_49 = tpu.memref_squeeze %dma_start3A_48 : memref<1x80xi32, #tpu.memory_space<vmem>> -> memref<80xi32, #tpu.memory_space<vmem>>
    %dma_start3A_50 = arith.constant 0 : i32
    %dma_start3A_51 = arith.constant 0 : i32
    %dma_start3A_52 = tpu.memref_slice %arg12[%dma_start3A_50, %dma_start3A_51] : memref<10000x128xf32, #tpu.memory_space<vmem_shared>> -> memref<10000x128xf32, #tpu.memory_space<vmem_shared>>
    tpu.enqueue_indirect_dma source(%arg11 : memref<80x128xf32, #tpu.memory_space<vmem>>) target(%dma_start3A_52 : memref<10000x128xf32, #tpu.memory_space<vmem_shared>>) offsets(%dma_start3A_49 : memref<80xi32, #tpu.memory_space<vmem>>) semaphore(%arg18 : memref<!tpu.dma_semaphore, #tpu.memory_space<semaphore_mem>>) {add = true}
    %add3A_53 = arith.constant 160 : i32
    %add3A_54 = arith.addi %mul3A_8, %add3A_53 : i32
    %dma_wait3A_55 = tpu.memref_slice %arg3[%add3A_54] : memref<320000xi32, #tpu.memory_space<hbm>> -> memref<80xi32, #tpu.memory_space<hbm>>
    %dma_wait3A_56 = tpu.memref_slice %arg3[%add3A_54] : memref<320000xi32, #tpu.memory_space<hbm>> -> memref<80xi32, #tpu.memory_space<hbm>>
    tpu.wait_dma2 semaphore(%arg13 : memref<!tpu.dma_semaphore, #tpu.memory_space<semaphore_mem>>) src(%dma_wait3A_56 : memref<80xi32, #tpu.memory_space<hbm>>) dst(%arg8 : memref<80xi32, #tpu.memory_space<vmem>>)
    %dma_wait3A_57 = arith.constant 0 : i32
    %dma_wait3A_58 = arith.constant 0 : i32
    %dma_wait3A_59 = tpu.memref_slice %arg7[%dma_wait3A_57, %dma_wait3A_58] : memref<125x80xi32, #tpu.memory_space<vmem>> -> memref<1x80xi32, #tpu.memory_space<vmem>>
    %dma_wait3A_60 = tpu.memref_squeeze %dma_wait3A_59 : memref<1x80xi32, #tpu.memory_space<vmem>> -> memref<80xi32, #tpu.memory_space<vmem>>
    %dma_wait3A_61 = arith.constant 0 : i32
    %dma_wait3A_62 = arith.constant 0 : i32
    %dma_wait3A_63 = tpu.memref_slice %arg12[%dma_wait3A_61, %dma_wait3A_62] : memref<10000x128xf32, #tpu.memory_space<vmem_shared>> -> memref<10000x128xf32, #tpu.memory_space<vmem_shared>>
    tpu.wait_indirect_dma semaphore(%arg17 : memref<!tpu.dma_semaphore, #tpu.memory_space<semaphore_mem>>) src(%arg10 : memref<80x128xf32, #tpu.memory_space<vmem>>) dst(%dma_wait3A_63 : memref<10000x128xf32, #tpu.memory_space<vmem_shared>>)
    %dma_start3A_64 = arith.constant 0 : i32
    %dma_start3A_65 = arith.constant 0 : i32
    %dma_start3A_66 = tpu.memref_slice %arg2[%dma_start3A_64, %dma_start3A_65] : memref<10000x128xf32, #tpu.memory_space<hbm>> -> memref<10000x128xf32, #tpu.memory_space<hbm>>
    tpu.enqueue_indirect_dma source(%dma_start3A_66 : memref<10000x128xf32, #tpu.memory_space<hbm>>) target(%arg10 : memref<80x128xf32, #tpu.memory_space<vmem>>) offsets(%arg8 : memref<80xi32, #tpu.memory_space<vmem>>) semaphore(%arg15 : memref<!tpu.dma_semaphore, #tpu.memory_space<semaphore_mem>>)
    %add3A_67 = arith.constant 240 : i32
    %add3A_68 = arith.addi %mul3A_8, %add3A_67 : i32
    %dma_start3A_69 = tpu.memref_slice %arg3[%add3A_68] : memref<320000xi32, #tpu.memory_space<hbm>> -> memref<80xi32, #tpu.memory_space<hbm>>
    %dma_start3A_70 = tpu.memref_slice %arg3[%add3A_68] : memref<320000xi32, #tpu.memory_space<hbm>> -> memref<80xi32, #tpu.memory_space<hbm>>
    tpu.enqueue_dma source(%dma_start3A_70 : memref<80xi32, #tpu.memory_space<hbm>>) target(%arg9 : memref<80xi32, #tpu.memory_space<vmem>>) target_semaphore(%arg14 : memref<!tpu.dma_semaphore, #tpu.memory_space<semaphore_mem>>)
    %scan3A = arith.constant 0 : i32
    %scan3A_71 = arith.constant 1 : i32
    %scan3A_72 = arith.constant 61 : i32
    %scan3A_73 = arith.addi %scan3A_71, %scan3A_72 : i32
    %scan3A_74 = arith.constant 1 : i32
    scf.for %scan3A_110 = %scan3A_71 to %scan3A_73 step %scan3A_74  : i32 {
      %mul3A_111 = arith.constant 2 : i32
      %mul3A_112 = arith.muli %mul3A_111, %scan3A_110 : i32
      %add3A_113 = arith.constant 0 : i32
      %add3A_114 = arith.addi %mul3A_112, %add3A_113 : i32
      %dma_wait3A_115 = arith.constant 0 : i32
      %dma_wait3A_116 = arith.constant 0 : i32
      %dma_wait3A_117 = tpu.memref_slice %arg2[%dma_wait3A_115, %dma_wait3A_116] : memref<10000x128xf32, #tpu.memory_space<hbm>> -> memref<10000x128xf32, #tpu.memory_space<hbm>>
      tpu.wait_indirect_dma semaphore(%arg15 : memref<!tpu.dma_semaphore, #tpu.memory_space<semaphore_mem>>) src(%dma_wait3A_117 : memref<10000x128xf32, #tpu.memory_space<hbm>>) dst(%arg10 : memref<80x128xf32, #tpu.memory_space<vmem>>)
      %sub3A = arith.constant 1 : i32
      %sub3A_118 = arith.subi %add3A_114, %sub3A : i32
      %dma_wait3A_119 = arith.constant 0 : i32
      %dma_wait3A_120 = tpu.memref_slice %arg7[%sub3A_118, %dma_wait3A_119] : memref<125x80xi32, #tpu.memory_space<vmem>> -> memref<1x80xi32, #tpu.memory_space<vmem>>
      %dma_wait3A_121 = tpu.memref_squeeze %dma_wait3A_120 : memref<1x80xi32, #tpu.memory_space<vmem>> -> memref<80xi32, #tpu.memory_space<vmem>>
      %dma_wait3A_122 = arith.constant 0 : i32
      %dma_wait3A_123 = arith.constant 0 : i32
      %dma_wait3A_124 = tpu.memref_slice %arg12[%dma_wait3A_122, %dma_wait3A_123] : memref<10000x128xf32, #tpu.memory_space<vmem_shared>> -> memref<10000x128xf32, #tpu.memory_space<vmem_shared>>
      tpu.wait_indirect_dma semaphore(%arg18 : memref<!tpu.dma_semaphore, #tpu.memory_space<semaphore_mem>>) src(%arg11 : memref<80x128xf32, #tpu.memory_space<vmem>>) dst(%dma_wait3A_124 : memref<10000x128xf32, #tpu.memory_space<vmem_shared>>)
      %dma_start3A_125 = arith.constant 0 : i32
      %dma_start3A_126 = tpu.memref_slice %arg7[%add3A_114, %dma_start3A_125] : memref<125x80xi32, #tpu.memory_space<vmem>> -> memref<1x80xi32, #tpu.memory_space<vmem>>
      %dma_start3A_127 = tpu.memref_squeeze %dma_start3A_126 : memref<1x80xi32, #tpu.memory_space<vmem>> -> memref<80xi32, #tpu.memory_space<vmem>>
      %dma_start3A_128 = arith.constant 0 : i32
      %dma_start3A_129 = arith.constant 0 : i32
      %dma_start3A_130 = tpu.memref_slice %arg12[%dma_start3A_128, %dma_start3A_129] : memref<10000x128xf32, #tpu.memory_space<vmem_shared>> -> memref<10000x128xf32, #tpu.memory_space<vmem_shared>>
      tpu.enqueue_indirect_dma source(%arg10 : memref<80x128xf32, #tpu.memory_space<vmem>>) target(%dma_start3A_130 : memref<10000x128xf32, #tpu.memory_space<vmem_shared>>) offsets(%dma_start3A_127 : memref<80xi32, #tpu.memory_space<vmem>>) semaphore(%arg17 : memref<!tpu.dma_semaphore, #tpu.memory_space<semaphore_mem>>) {add = true}
      %add3A_131 = arith.constant 1 : i32
      %add3A_132 = arith.addi %add3A_114, %add3A_131 : i32
      %mul3A_133 = arith.constant 80 : i32
      %mul3A_134 = arith.muli %add3A_132, %mul3A_133 : i32
      %add3A_135 = arith.addi %mul3A_8, %mul3A_134 : i32
      %dma_wait3A_136 = tpu.memref_slice %arg3[%add3A_135] : memref<320000xi32, #tpu.memory_space<hbm>> -> memref<80xi32, #tpu.memory_space<hbm>>
      %dma_wait3A_137 = tpu.memref_slice %arg3[%add3A_135] : memref<320000xi32, #tpu.memory_space<hbm>> -> memref<80xi32, #tpu.memory_space<hbm>>
      tpu.wait_dma2 semaphore(%arg14 : memref<!tpu.dma_semaphore, #tpu.memory_space<semaphore_mem>>) src(%dma_wait3A_137 : memref<80xi32, #tpu.memory_space<hbm>>) dst(%arg9 : memref<80xi32, #tpu.memory_space<vmem>>)
      %dma_start3A_138 = arith.constant 0 : i32
      %dma_start3A_139 = arith.constant 0 : i32
      %dma_start3A_140 = tpu.memref_slice %arg2[%dma_start3A_138, %dma_start3A_139] : memref<10000x128xf32, #tpu.memory_space<hbm>> -> memref<10000x128xf32, #tpu.memory_space<hbm>>
      tpu.enqueue_indirect_dma source(%dma_start3A_140 : memref<10000x128xf32, #tpu.memory_space<hbm>>) target(%arg11 : memref<80x128xf32, #tpu.memory_space<vmem>>) offsets(%arg9 : memref<80xi32, #tpu.memory_space<vmem>>) semaphore(%arg16 : memref<!tpu.dma_semaphore, #tpu.memory_space<semaphore_mem>>)
      %add3A_141 = arith.constant 2 : i32
      %add3A_142 = arith.addi %add3A_114, %add3A_141 : i32
      %le3A = arith.constant 124 : i32
      %le3A_143 = arith.cmpi sle, %add3A_142, %le3A : i32
      %convert_element_type3A_144 = arith.extui %le3A_143 : i1 to i32
      %cond3A_145 = arith.constant 0 : i32
      %cond3A_146 = arith.cmpi ne, %convert_element_type3A_144, %cond3A_145 : i32
      scf.if %cond3A_146 {
        %add3A_185 = arith.constant 2 : i32
        %add3A_186 = arith.addi %add3A_114, %add3A_185 : i32
        %mul3A_187 = arith.constant 80 : i32
        %mul3A_188 = arith.muli %add3A_186, %mul3A_187 : i32
        %add3A_189 = arith.addi %mul3A_8, %mul3A_188 : i32
        %dma_start3A_190 = tpu.memref_slice %arg3[%add3A_189] : memref<320000xi32, #tpu.memory_space<hbm>> -> memref<80xi32, #tpu.memory_space<hbm>>
        %dma_start3A_191 = tpu.memref_slice %arg3[%add3A_189] : memref<320000xi32, #tpu.memory_space<hbm>> -> memref<80xi32, #tpu.memory_space<hbm>>
        tpu.enqueue_dma source(%dma_start3A_191 : memref<80xi32, #tpu.memory_space<hbm>>) target(%arg8 : memref<80xi32, #tpu.memory_space<vmem>>) target_semaphore(%arg13 : memref<!tpu.dma_semaphore, #tpu.memory_space<semaphore_mem>>)
      } else {
      }
      %mul3A_147 = arith.constant 2 : i32
      %mul3A_148 = arith.muli %mul3A_147, %scan3A_110 : i32
      %add3A_149 = arith.constant 1 : i32
      %add3A_150 = arith.addi %mul3A_148, %add3A_149 : i32
      %dma_wait3A_151 = arith.constant 0 : i32
      %dma_wait3A_152 = arith.constant 0 : i32
      %dma_wait3A_153 = tpu.memref_slice %arg2[%dma_wait3A_151, %dma_wait3A_152] : memref<10000x128xf32, #tpu.memory_space<hbm>> -> memref<10000x128xf32, #tpu.memory_space<hbm>>
      tpu.wait_indirect_dma semaphore(%arg16 : memref<!tpu.dma_semaphore, #tpu.memory_space<semaphore_mem>>) src(%dma_wait3A_153 : memref<10000x128xf32, #tpu.memory_space<hbm>>) dst(%arg11 : memref<80x128xf32, #tpu.memory_space<vmem>>)
      %sub3A_154 = arith.constant 1 : i32
      %sub3A_155 = arith.subi %add3A_150, %sub3A_154 : i32
      %dma_wait3A_156 = arith.constant 0 : i32
      %dma_wait3A_157 = tpu.memref_slice %arg7[%sub3A_155, %dma_wait3A_156] : memref<125x80xi32, #tpu.memory_space<vmem>> -> memref<1x80xi32, #tpu.memory_space<vmem>>
      %dma_wait3A_158 = tpu.memref_squeeze %dma_wait3A_157 : memref<1x80xi32, #tpu.memory_space<vmem>> -> memref<80xi32, #tpu.memory_space<vmem>>
      %dma_wait3A_159 = arith.constant 0 : i32
      %dma_wait3A_160 = arith.constant 0 : i32
      %dma_wait3A_161 = tpu.memref_slice %arg12[%dma_wait3A_159, %dma_wait3A_160] : memref<10000x128xf32, #tpu.memory_space<vmem_shared>> -> memref<10000x128xf32, #tpu.memory_space<vmem_shared>>
      tpu.wait_indirect_dma semaphore(%arg17 : memref<!tpu.dma_semaphore, #tpu.memory_space<semaphore_mem>>) src(%arg10 : memref<80x128xf32, #tpu.memory_space<vmem>>) dst(%dma_wait3A_161 : memref<10000x128xf32, #tpu.memory_space<vmem_shared>>)
      %dma_start3A_162 = arith.constant 0 : i32
      %dma_start3A_163 = tpu.memref_slice %arg7[%add3A_150, %dma_start3A_162] : memref<125x80xi32, #tpu.memory_space<vmem>> -> memref<1x80xi32, #tpu.memory_space<vmem>>
      %dma_start3A_164 = tpu.memref_squeeze %dma_start3A_163 : memref<1x80xi32, #tpu.memory_space<vmem>> -> memref<80xi32, #tpu.memory_space<vmem>>
      %dma_start3A_165 = arith.constant 0 : i32
      %dma_start3A_166 = arith.constant 0 : i32
      %dma_start3A_167 = tpu.memref_slice %arg12[%dma_start3A_165, %dma_start3A_166] : memref<10000x128xf32, #tpu.memory_space<vmem_shared>> -> memref<10000x128xf32, #tpu.memory_space<vmem_shared>>
      tpu.enqueue_indirect_dma source(%arg11 : memref<80x128xf32, #tpu.memory_space<vmem>>) target(%dma_start3A_167 : memref<10000x128xf32, #tpu.memory_space<vmem_shared>>) offsets(%dma_start3A_164 : memref<80xi32, #tpu.memory_space<vmem>>) semaphore(%arg18 : memref<!tpu.dma_semaphore, #tpu.memory_space<semaphore_mem>>) {add = true}
      %add3A_168 = arith.constant 1 : i32
      %add3A_169 = arith.addi %add3A_150, %add3A_168 : i32
      %mul3A_170 = arith.constant 80 : i32
      %mul3A_171 = arith.muli %add3A_169, %mul3A_170 : i32
      %add3A_172 = arith.addi %mul3A_8, %mul3A_171 : i32
      %dma_wait3A_173 = tpu.memref_slice %arg3[%add3A_172] : memref<320000xi32, #tpu.memory_space<hbm>> -> memref<80xi32, #tpu.memory_space<hbm>>
      %dma_wait3A_174 = tpu.memref_slice %arg3[%add3A_172] : memref<320000xi32, #tpu.memory_space<hbm>> -> memref<80xi32, #tpu.memory_space<hbm>>
      tpu.wait_dma2 semaphore(%arg13 : memref<!tpu.dma_semaphore, #tpu.memory_space<semaphore_mem>>) src(%dma_wait3A_174 : memref<80xi32, #tpu.memory_space<hbm>>) dst(%arg8 : memref<80xi32, #tpu.memory_space<vmem>>)
      %dma_start3A_175 = arith.constant 0 : i32
      %dma_start3A_176 = arith.constant 0 : i32
      %dma_start3A_177 = tpu.memref_slice %arg2[%dma_start3A_175, %dma_start3A_176] : memref<10000x128xf32, #tpu.memory_space<hbm>> -> memref<10000x128xf32, #tpu.memory_space<hbm>>
      tpu.enqueue_indirect_dma source(%dma_start3A_177 : memref<10000x128xf32, #tpu.memory_space<hbm>>) target(%arg10 : memref<80x128xf32, #tpu.memory_space<vmem>>) offsets(%arg8 : memref<80xi32, #tpu.memory_space<vmem>>) semaphore(%arg15 : memref<!tpu.dma_semaphore, #tpu.memory_space<semaphore_mem>>)
      %add3A_178 = arith.constant 2 : i32
      %add3A_179 = arith.addi %add3A_150, %add3A_178 : i32
      %le3A_180 = arith.constant 124 : i32
      %le3A_181 = arith.cmpi sle, %add3A_179, %le3A_180 : i32
      %convert_element_type3A_182 = arith.extui %le3A_181 : i1 to i32
      %cond3A_183 = arith.constant 0 : i32
      %cond3A_184 = arith.cmpi ne, %convert_element_type3A_182, %cond3A_183 : i32
      scf.if %cond3A_184 {
        %add3A_185 = arith.constant 2 : i32
        %add3A_186 = arith.addi %add3A_150, %add3A_185 : i32
        %mul3A_187 = arith.constant 80 : i32
        %mul3A_188 = arith.muli %add3A_186, %mul3A_187 : i32
        %add3A_189 = arith.addi %mul3A_8, %mul3A_188 : i32
        %dma_start3A_190 = tpu.memref_slice %arg3[%add3A_189] : memref<320000xi32, #tpu.memory_space<hbm>> -> memref<80xi32, #tpu.memory_space<hbm>>
        %dma_start3A_191 = tpu.memref_slice %arg3[%add3A_189] : memref<320000xi32, #tpu.memory_space<hbm>> -> memref<80xi32, #tpu.memory_space<hbm>>
        tpu.enqueue_dma source(%dma_start3A_191 : memref<80xi32, #tpu.memory_space<hbm>>) target(%arg9 : memref<80xi32, #tpu.memory_space<vmem>>) target_semaphore(%arg14 : memref<!tpu.dma_semaphore, #tpu.memory_space<semaphore_mem>>)
      } else {
      }
    }
    %scan3A_75 = arith.constant 61 : i32
    %dma_wait3A_76 = arith.constant 0 : i32
    %dma_wait3A_77 = arith.constant 0 : i32
    %dma_wait3A_78 = tpu.memref_slice %arg2[%dma_wait3A_76, %dma_wait3A_77] : memref<10000x128xf32, #tpu.memory_space<hbm>> -> memref<10000x128xf32, #tpu.memory_space<hbm>>
    tpu.wait_indirect_dma semaphore(%arg15 : memref<!tpu.dma_semaphore, #tpu.memory_space<semaphore_mem>>) src(%dma_wait3A_78 : memref<10000x128xf32, #tpu.memory_space<hbm>>) dst(%arg10 : memref<80x128xf32, #tpu.memory_space<vmem>>)
    %dma_wait3A_79 = arith.constant 123 : i32
    %dma_wait3A_80 = arith.constant 0 : i32
    %dma_wait3A_81 = tpu.memref_slice %arg7[%dma_wait3A_79, %dma_wait3A_80] : memref<125x80xi32, #tpu.memory_space<vmem>> -> memref<1x80xi32, #tpu.memory_space<vmem>>
    %dma_wait3A_82 = tpu.memref_squeeze %dma_wait3A_81 : memref<1x80xi32, #tpu.memory_space<vmem>> -> memref<80xi32, #tpu.memory_space<vmem>>
    %dma_wait3A_83 = arith.constant 0 : i32
    %dma_wait3A_84 = arith.constant 0 : i32
    %dma_wait3A_85 = tpu.memref_slice %arg12[%dma_wait3A_83, %dma_wait3A_84] : memref<10000x128xf32, #tpu.memory_space<vmem_shared>> -> memref<10000x128xf32, #tpu.memory_space<vmem_shared>>
    tpu.wait_indirect_dma semaphore(%arg18 : memref<!tpu.dma_semaphore, #tpu.memory_space<semaphore_mem>>) src(%arg11 : memref<80x128xf32, #tpu.memory_space<vmem>>) dst(%dma_wait3A_85 : memref<10000x128xf32, #tpu.memory_space<vmem_shared>>)
    %dma_start3A_86 = arith.constant 124 : i32
    %dma_start3A_87 = arith.constant 0 : i32
    %dma_start3A_88 = tpu.memref_slice %arg7[%dma_start3A_86, %dma_start3A_87] : memref<125x80xi32, #tpu.memory_space<vmem>> -> memref<1x80xi32, #tpu.memory_space<vmem>>
    %dma_start3A_89 = tpu.memref_squeeze %dma_start3A_88 : memref<1x80xi32, #tpu.memory_space<vmem>> -> memref<80xi32, #tpu.memory_space<vmem>>
    %dma_start3A_90 = arith.constant 0 : i32
    %dma_start3A_91 = arith.constant 0 : i32
    %dma_start3A_92 = tpu.memref_slice %arg12[%dma_start3A_90, %dma_start3A_91] : memref<10000x128xf32, #tpu.memory_space<vmem_shared>> -> memref<10000x128xf32, #tpu.memory_space<vmem_shared>>
    tpu.enqueue_indirect_dma source(%arg10 : memref<80x128xf32, #tpu.memory_space<vmem>>) target(%dma_start3A_92 : memref<10000x128xf32, #tpu.memory_space<vmem_shared>>) offsets(%dma_start3A_89 : memref<80xi32, #tpu.memory_space<vmem>>) semaphore(%arg17 : memref<!tpu.dma_semaphore, #tpu.memory_space<semaphore_mem>>) {add = true}
    %dma_wait3A_93 = arith.constant 124 : i32
    %dma_wait3A_94 = arith.constant 0 : i32
    %dma_wait3A_95 = tpu.memref_slice %arg7[%dma_wait3A_93, %dma_wait3A_94] : memref<125x80xi32, #tpu.memory_space<vmem>> -> memref<1x80xi32, #tpu.memory_space<vmem>>
    %dma_wait3A_96 = tpu.memref_squeeze %dma_wait3A_95 : memref<1x80xi32, #tpu.memory_space<vmem>> -> memref<80xi32, #tpu.memory_space<vmem>>
    %dma_wait3A_97 = arith.constant 0 : i32
    %dma_wait3A_98 = arith.constant 0 : i32
    %dma_wait3A_99 = tpu.memref_slice %arg12[%dma_wait3A_97, %dma_wait3A_98] : memref<10000x128xf32, #tpu.memory_space<vmem_shared>> -> memref<10000x128xf32, #tpu.memory_space<vmem_shared>>
    tpu.wait_indirect_dma semaphore(%arg17 : memref<!tpu.dma_semaphore, #tpu.memory_space<semaphore_mem>>) src(%arg10 : memref<80x128xf32, #tpu.memory_space<vmem>>) dst(%dma_wait3A_99 : memref<10000x128xf32, #tpu.memory_space<vmem_shared>>)
    %barrier3A_100 = arith.constant 0 : index
    tpu.barrier barrier_id(%barrier3A_100)
    %mul3A_101 = arith.constant 624 : i32
    %mul3A_102 = arith.muli %arg1, %mul3A_101 : i32
    %mul3A_103 = arith.constant 624 : i32
    %mul3A_104 = arith.muli %arg1, %mul3A_103 : i32
    "tpu.region"() ({
      %run_scoped3A = tpu.sem_alloc : memref<!tpu.dma_semaphore, #tpu.memory_space<semaphore_mem>>
      %dma_start3A_110 = arith.constant 0 : i32
      %dma_start3A_111 = tpu.memref_slice %arg6[%arg0, %mul3A_104, %dma_start3A_110] : memref<2x10000x128xf32, #tpu.memory_space<hbm>> -> memref<1x624x128xf32, #tpu.memory_space<hbm>>
      %dma_start3A_112 = tpu.memref_squeeze %dma_start3A_111 : memref<1x624x128xf32, #tpu.memory_space<hbm>> -> memref<624x128xf32, #tpu.memory_space<hbm>>
      %dma_start3A_113 = arith.constant 0 : i32
      %dma_start3A_114 = tpu.memref_slice %arg12[%mul3A_102, %dma_start3A_113] : memref<10000x128xf32, #tpu.memory_space<vmem_shared>> -> memref<624x128xf32, #tpu.memory_space<vmem_shared>>
      tpu.enqueue_dma source(%dma_start3A_114 : memref<624x128xf32, #tpu.memory_space<vmem_shared>>) target(%dma_start3A_112 : memref<624x128xf32, #tpu.memory_space<hbm>>) target_semaphore(%run_scoped3A : memref<!tpu.dma_semaphore, #tpu.memory_space<semaphore_mem>>)
      %dma_wait3A_115 = arith.constant 0 : i32
      %dma_wait3A_116 = tpu.memref_slice %arg6[%arg0, %mul3A_104, %dma_wait3A_115] : memref<2x10000x128xf32, #tpu.memory_space<hbm>> -> memref<1x624x128xf32, #tpu.memory_space<hbm>>
      %dma_wait3A_117 = tpu.memref_squeeze %dma_wait3A_116 : memref<1x624x128xf32, #tpu.memory_space<hbm>> -> memref<624x128xf32, #tpu.memory_space<hbm>>
      %dma_wait3A_118 = arith.constant 0 : i32
      %dma_wait3A_119 = tpu.memref_slice %arg12[%mul3A_102, %dma_wait3A_118] : memref<10000x128xf32, #tpu.memory_space<vmem_shared>> -> memref<624x128xf32, #tpu.memory_space<vmem_shared>>
      tpu.wait_dma2 semaphore(%run_scoped3A : memref<!tpu.dma_semaphore, #tpu.memory_space<semaphore_mem>>) src(%dma_wait3A_119 : memref<624x128xf32, #tpu.memory_space<vmem_shared>>) dst(%dma_wait3A_117 : memref<624x128xf32, #tpu.memory_space<hbm>>)
      tpu.yield
    }) : () -> ()
    %eq3A_105 = arith.constant 15 : i32
    %eq3A_106 = arith.cmpi eq, %arg1, %eq3A_105 : i32
    %convert_element_type3A_107 = arith.extui %eq3A_106 : i1 to i32
    %cond3A_108 = arith.constant 0 : i32
    %cond3A_109 = arith.cmpi ne, %convert_element_type3A_107, %cond3A_108 : i32
    scf.if %cond3A_109 {
      "tpu.region"() ({
        %run_scoped3A = tpu.sem_alloc : memref<!tpu.dma_semaphore, #tpu.memory_space<semaphore_mem>>
        %dma_start3A_110 = arith.constant 9984 : i32
        %dma_start3A_111 = arith.constant 0 : i32
        %dma_start3A_112 = tpu.memref_slice %arg6[%arg0, %dma_start3A_110, %dma_start3A_111] : memref<2x10000x128xf32, #tpu.memory_space<hbm>> -> memref<1x16x128xf32, #tpu.memory_space<hbm>>
        %dma_start3A_113 = tpu.memref_squeeze %dma_start3A_112 : memref<1x16x128xf32, #tpu.memory_space<hbm>> -> memref<16x128xf32, #tpu.memory_space<hbm>>
        %dma_start3A_114 = arith.constant 9984 : i32
        %dma_start3A_115 = arith.constant 0 : i32
        %dma_start3A_116 = tpu.memref_slice %arg12[%dma_start3A_114, %dma_start3A_115] : memref<10000x128xf32, #tpu.memory_space<vmem_shared>> -> memref<16x128xf32, #tpu.memory_space<vmem_shared>>
        tpu.enqueue_dma source(%dma_start3A_116 : memref<16x128xf32, #tpu.memory_space<vmem_shared>>) target(%dma_start3A_113 : memref<16x128xf32, #tpu.memory_space<hbm>>) target_semaphore(%run_scoped3A : memref<!tpu.dma_semaphore, #tpu.memory_space<semaphore_mem>>)
        %dma_wait3A_117 = arith.constant 9984 : i32
        %dma_wait3A_118 = arith.constant 0 : i32
        %dma_wait3A_119 = tpu.memref_slice %arg6[%arg0, %dma_wait3A_117, %dma_wait3A_118] : memref<2x10000x128xf32, #tpu.memory_space<hbm>> -> memref<1x16x128xf32, #tpu.memory_space<hbm>>
        %dma_wait3A_120 = tpu.memref_squeeze %dma_wait3A_119 : memref<1x16x128xf32, #tpu.memory_space<hbm>> -> memref<16x128xf32, #tpu.memory_space<hbm>>
        %dma_wait3A_121 = arith.constant 9984 : i32
        %dma_wait3A_122 = arith.constant 0 : i32
        %dma_wait3A_123 = tpu.memref_slice %arg12[%dma_wait3A_121, %dma_wait3A_122] : memref<10000x128xf32, #tpu.memory_space<vmem_shared>> -> memref<16x128xf32, #tpu.memory_space<vmem_shared>>
        tpu.wait_dma2 semaphore(%run_scoped3A : memref<!tpu.dma_semaphore, #tpu.memory_space<semaphore_mem>>) src(%dma_wait3A_123 : memref<16x128xf32, #tpu.memory_space<vmem_shared>>) dst(%dma_wait3A_120 : memref<16x128xf32, #tpu.memory_space<hbm>>)
        tpu.yield
      }) : () -> ()
    } else {
    }
    return
  }
}

#map = affine_map<(d0, d1) -> (0, 0)>
#map1 = affine_map<(d0, d1) -> (0)>
#map2 = affine_map<(d0, d1) -> (0, 0, 0)>
module attributes {stable_mosaic.version = 14 : i64} {
  func.func @edge_k(%arg0: i32, %arg1: i32, %arg2: memref<10000x128xf32, #tpu.memory_space<hbm>>, %arg3: memref<320000xi32, #tpu.memory_space<hbm>>, %arg4: memref<32x125x80xi32, #tpu.memory_space<hbm>>, %arg5: memref<10000x128xf32, #tpu.memory_space<hbm>>, %arg6: memref<2x10000x128xf32, #tpu.memory_space<hbm>>, %arg7: memref<125x80xi32, #tpu.memory_space<vmem>>, %arg8: memref<80xi32, #tpu.memory_space<vmem>>, %arg9: memref<80xi32, #tpu.memory_space<vmem>>, %arg10: memref<80x128xf32, #tpu.memory_space<vmem>>, %arg11: memref<80x128xf32, #tpu.memory_space<vmem>>, %arg12: memref<10000x128xf32, #tpu.memory_space<vmem_shared>>, %arg13: memref<!tpu.dma_semaphore, #tpu.memory_space<semaphore_mem>>, %arg14: memref<!tpu.dma_semaphore, #tpu.memory_space<semaphore_mem>>, %arg15: memref<!tpu.dma_semaphore, #tpu.memory_space<semaphore_mem>>, %arg16: memref<!tpu.dma_semaphore, #tpu.memory_space<semaphore_mem>>, %arg17: memref<!tpu.dma_semaphore, #tpu.memory_space<semaphore_mem>>, %arg18: memref<!tpu.dma_semaphore, #tpu.memory_space<semaphore_mem>>) attributes {dimension_semantics = [#tpu.dimension_semantics<core_parallel>, #tpu.dimension_semantics<subcore_parallel>], iteration_bounds = array<i64: 2, 16>, scalar_prefetch = 0 : i64, scratch_operands = 12 : i64, tpu.core_type = #tpu.core_type<sc_vector_subcore>, window_params = [{transform_indices = #map}, {transform_indices = #map1}, {transform_indices = #map2}, {transform_indices = #map}, {transform_indices = #map2}]} {
    %mul3A = arith.constant 2 : i32
    %mul3A_0 = arith.muli %arg1, %mul3A : i32
    %add3A = arith.addi %mul3A_0, %arg0 : i32
    %mul3A_1 = arith.constant 624 : i32
    %mul3A_2 = arith.muli %arg1, %mul3A_1 : i32
    %mul3A_3 = arith.constant 624 : i32
    %mul3A_4 = arith.muli %arg1, %mul3A_3 : i32
    "tpu.region"() ({
      %run_scoped3A = tpu.sem_alloc : memref<!tpu.dma_semaphore, #tpu.memory_space<semaphore_mem>>
      %dma_start3A_110 = arith.constant 0 : i32
      %dma_start3A_111 = tpu.memref_slice %arg12[%mul3A_4, %dma_start3A_110] : memref<10000x128xf32, #tpu.memory_space<vmem_shared>> -> memref<624x128xf32, #tpu.memory_space<vmem_shared>>
      %dma_start3A_112 = arith.constant 0 : i32
      %dma_start3A_113 = tpu.memref_slice %arg5[%mul3A_2, %dma_start3A_112] : memref<10000x128xf32, #tpu.memory_space<hbm>> -> memref<624x128xf32, #tpu.memory_space<hbm>>
      tpu.enqueue_dma source(%dma_start3A_113 : memref<624x128xf32, #tpu.memory_space<hbm>>) target(%dma_start3A_111 : memref<624x128xf32, #tpu.memory_space<vmem_shared>>) target_semaphore(%run_scoped3A : memref<!tpu.dma_semaphore, #tpu.memory_space<semaphore_mem>>)
      %dma_wait3A_114 = arith.constant 0 : i32
      %dma_wait3A_115 = tpu.memref_slice %arg12[%mul3A_4, %dma_wait3A_114] : memref<10000x128xf32, #tpu.memory_space<vmem_shared>> -> memref<624x128xf32, #tpu.memory_space<vmem_shared>>
      %dma_wait3A_116 = arith.constant 0 : i32
      %dma_wait3A_117 = tpu.memref_slice %arg5[%mul3A_2, %dma_wait3A_116] : memref<10000x128xf32, #tpu.memory_space<hbm>> -> memref<624x128xf32, #tpu.memory_space<hbm>>
      tpu.wait_dma2 semaphore(%run_scoped3A : memref<!tpu.dma_semaphore, #tpu.memory_space<semaphore_mem>>) src(%dma_wait3A_117 : memref<624x128xf32, #tpu.memory_space<hbm>>) dst(%dma_wait3A_115 : memref<624x128xf32, #tpu.memory_space<vmem_shared>>)
      tpu.yield
    }) : () -> ()
    %eq3A = arith.constant 15 : i32
    %eq3A_5 = arith.cmpi eq, %arg1, %eq3A : i32
    %convert_element_type3A = arith.extui %eq3A_5 : i1 to i32
    %cond3A = arith.constant 0 : i32
    %cond3A_6 = arith.cmpi ne, %convert_element_type3A, %cond3A : i32
    scf.if %cond3A_6 {
      "tpu.region"() ({
        %run_scoped3A = tpu.sem_alloc : memref<!tpu.dma_semaphore, #tpu.memory_space<semaphore_mem>>
        %dma_start3A_110 = arith.constant 9984 : i32
        %dma_start3A_111 = arith.constant 0 : i32
        %dma_start3A_112 = tpu.memref_slice %arg12[%dma_start3A_110, %dma_start3A_111] : memref<10000x128xf32, #tpu.memory_space<vmem_shared>> -> memref<16x128xf32, #tpu.memory_space<vmem_shared>>
        %dma_start3A_113 = arith.constant 9984 : i32
        %dma_start3A_114 = arith.constant 0 : i32
        %dma_start3A_115 = tpu.memref_slice %arg5[%dma_start3A_113, %dma_start3A_114] : memref<10000x128xf32, #tpu.memory_space<hbm>> -> memref<16x128xf32, #tpu.memory_space<hbm>>
        tpu.enqueue_dma source(%dma_start3A_115 : memref<16x128xf32, #tpu.memory_space<hbm>>) target(%dma_start3A_112 : memref<16x128xf32, #tpu.memory_space<vmem_shared>>) target_semaphore(%run_scoped3A : memref<!tpu.dma_semaphore, #tpu.memory_space<semaphore_mem>>)
        %dma_wait3A_116 = arith.constant 9984 : i32
        %dma_wait3A_117 = arith.constant 0 : i32
        %dma_wait3A_118 = tpu.memref_slice %arg12[%dma_wait3A_116, %dma_wait3A_117] : memref<10000x128xf32, #tpu.memory_space<vmem_shared>> -> memref<16x128xf32, #tpu.memory_space<vmem_shared>>
        %dma_wait3A_119 = arith.constant 9984 : i32
        %dma_wait3A_120 = arith.constant 0 : i32
        %dma_wait3A_121 = tpu.memref_slice %arg5[%dma_wait3A_119, %dma_wait3A_120] : memref<10000x128xf32, #tpu.memory_space<hbm>> -> memref<16x128xf32, #tpu.memory_space<hbm>>
        tpu.wait_dma2 semaphore(%run_scoped3A : memref<!tpu.dma_semaphore, #tpu.memory_space<semaphore_mem>>) src(%dma_wait3A_121 : memref<16x128xf32, #tpu.memory_space<hbm>>) dst(%dma_wait3A_118 : memref<16x128xf32, #tpu.memory_space<vmem_shared>>)
        tpu.yield
      }) : () -> ()
    } else {
    }
    "tpu.region"() ({
      %run_scoped3A = tpu.sem_alloc : memref<!tpu.dma_semaphore, #tpu.memory_space<semaphore_mem>>
      %dma_start3A_110 = arith.constant 0 : i32
      %dma_start3A_111 = arith.constant 0 : i32
      %dma_start3A_112 = tpu.memref_slice %arg4[%add3A, %dma_start3A_110, %dma_start3A_111] : memref<32x125x80xi32, #tpu.memory_space<hbm>> -> memref<1x125x80xi32, #tpu.memory_space<hbm>>
      %dma_start3A_113 = tpu.memref_squeeze %dma_start3A_112 : memref<1x125x80xi32, #tpu.memory_space<hbm>> -> memref<125x80xi32, #tpu.memory_space<hbm>>
      %dma_start3A_114 = arith.constant 0 : i32
      %dma_start3A_115 = arith.constant 0 : i32
      %dma_start3A_116 = tpu.memref_slice %arg4[%add3A, %dma_start3A_114, %dma_start3A_115] : memref<32x125x80xi32, #tpu.memory_space<hbm>> -> memref<1x125x80xi32, #tpu.memory_space<hbm>>
      %dma_start3A_117 = tpu.memref_squeeze %dma_start3A_116 : memref<1x125x80xi32, #tpu.memory_space<hbm>> -> memref<125x80xi32, #tpu.memory_space<hbm>>
      tpu.enqueue_dma source(%dma_start3A_117 : memref<125x80xi32, #tpu.memory_space<hbm>>) target(%arg7 : memref<125x80xi32, #tpu.memory_space<vmem>>) target_semaphore(%run_scoped3A : memref<!tpu.dma_semaphore, #tpu.memory_space<semaphore_mem>>)
      %dma_wait3A_118 = arith.constant 0 : i32
      %dma_wait3A_119 = arith.constant 0 : i32
      %dma_wait3A_120 = tpu.memref_slice %arg4[%add3A, %dma_wait3A_118, %dma_wait3A_119] : memref<32x125x80xi32, #tpu.memory_space<hbm>> -> memref<1x125x80xi32, #tpu.memory_space<hbm>>
      %dma_wait3A_121 = tpu.memref_squeeze %dma_wait3A_120 : memref<1x125x80xi32, #tpu.memory_space<hbm>> -> memref<125x80xi32, #tpu.memory_space<hbm>>
      %dma_wait3A_122 = arith.constant 0 : i32
      %dma_wait3A_123 = arith.constant 0 : i32
      %dma_wait3A_124 = tpu.memref_slice %arg4[%add3A, %dma_wait3A_122, %dma_wait3A_123] : memref<32x125x80xi32, #tpu.memory_space<hbm>> -> memref<1x125x80xi32, #tpu.memory_space<hbm>>
      %dma_wait3A_125 = tpu.memref_squeeze %dma_wait3A_124 : memref<1x125x80xi32, #tpu.memory_space<hbm>> -> memref<125x80xi32, #tpu.memory_space<hbm>>
      tpu.wait_dma2 semaphore(%run_scoped3A : memref<!tpu.dma_semaphore, #tpu.memory_space<semaphore_mem>>) src(%dma_wait3A_125 : memref<125x80xi32, #tpu.memory_space<hbm>>) dst(%arg7 : memref<125x80xi32, #tpu.memory_space<vmem>>)
      tpu.yield
    }) : () -> ()
    %barrier3A = arith.constant 0 : index
    tpu.barrier barrier_id(%barrier3A)
    %mul3A_7 = arith.constant 10000 : i32
    %mul3A_8 = arith.muli %add3A, %mul3A_7 : i32
    %add3A_9 = arith.constant 0 : i32
    %add3A_10 = arith.addi %mul3A_8, %add3A_9 : i32
    %dma_start3A = tpu.memref_slice %arg3[%add3A_10] : memref<320000xi32, #tpu.memory_space<hbm>> -> memref<80xi32, #tpu.memory_space<hbm>>
    %dma_start3A_11 = tpu.memref_slice %arg3[%add3A_10] : memref<320000xi32, #tpu.memory_space<hbm>> -> memref<80xi32, #tpu.memory_space<hbm>>
    tpu.enqueue_dma source(%dma_start3A_11 : memref<80xi32, #tpu.memory_space<hbm>>) target(%arg8 : memref<80xi32, #tpu.memory_space<vmem>>) target_semaphore(%arg13 : memref<!tpu.dma_semaphore, #tpu.memory_space<semaphore_mem>>)
    %add3A_12 = arith.constant 0 : i32
    %add3A_13 = arith.addi %mul3A_8, %add3A_12 : i32
    %dma_wait3A = tpu.memref_slice %arg3[%add3A_13] : memref<320000xi32, #tpu.memory_space<hbm>> -> memref<80xi32, #tpu.memory_space<hbm>>
    %dma_wait3A_14 = tpu.memref_slice %arg3[%add3A_13] : memref<320000xi32, #tpu.memory_space<hbm>> -> memref<80xi32, #tpu.memory_space<hbm>>
    tpu.wait_dma2 semaphore(%arg13 : memref<!tpu.dma_semaphore, #tpu.memory_space<semaphore_mem>>) src(%dma_wait3A_14 : memref<80xi32, #tpu.memory_space<hbm>>) dst(%arg8 : memref<80xi32, #tpu.memory_space<vmem>>)
    %dma_start3A_15 = arith.constant 0 : i32
    %dma_start3A_16 = arith.constant 0 : i32
    %dma_start3A_17 = tpu.memref_slice %arg2[%dma_start3A_15, %dma_start3A_16] : memref<10000x128xf32, #tpu.memory_space<hbm>> -> memref<10000x128xf32, #tpu.memory_space<hbm>>
    tpu.enqueue_indirect_dma source(%dma_start3A_17 : memref<10000x128xf32, #tpu.memory_space<hbm>>) target(%arg10 : memref<80x128xf32, #tpu.memory_space<vmem>>) offsets(%arg8 : memref<80xi32, #tpu.memory_space<vmem>>) semaphore(%arg15 : memref<!tpu.dma_semaphore, #tpu.memory_space<semaphore_mem>>)
    %add3A_18 = arith.constant 80 : i32
    %add3A_19 = arith.addi %mul3A_8, %add3A_18 : i32
    %dma_start3A_20 = tpu.memref_slice %arg3[%add3A_19] : memref<320000xi32, #tpu.memory_space<hbm>> -> memref<80xi32, #tpu.memory_space<hbm>>
    %dma_start3A_21 = tpu.memref_slice %arg3[%add3A_19] : memref<320000xi32, #tpu.memory_space<hbm>> -> memref<80xi32, #tpu.memory_space<hbm>>
    tpu.enqueue_dma source(%dma_start3A_21 : memref<80xi32, #tpu.memory_space<hbm>>) target(%arg9 : memref<80xi32, #tpu.memory_space<vmem>>) target_semaphore(%arg14 : memref<!tpu.dma_semaphore, #tpu.memory_space<semaphore_mem>>)
    %dma_wait3A_22 = arith.constant 0 : i32
    %dma_wait3A_23 = arith.constant 0 : i32
    %dma_wait3A_24 = tpu.memref_slice %arg2[%dma_wait3A_22, %dma_wait3A_23] : memref<10000x128xf32, #tpu.memory_space<hbm>> -> memref<10000x128xf32, #tpu.memory_space<hbm>>
    tpu.wait_indirect_dma semaphore(%arg15 : memref<!tpu.dma_semaphore, #tpu.memory_space<semaphore_mem>>) src(%dma_wait3A_24 : memref<10000x128xf32, #tpu.memory_space<hbm>>) dst(%arg10 : memref<80x128xf32, #tpu.memory_space<vmem>>)
    %dma_start3A_25 = arith.constant 0 : i32
    %dma_start3A_26 = arith.constant 0 : i32
    %dma_start3A_27 = tpu.memref_slice %arg7[%dma_start3A_25, %dma_start3A_26] : memref<125x80xi32, #tpu.memory_space<vmem>> -> memref<1x80xi32, #tpu.memory_space<vmem>>
    %dma_start3A_28 = tpu.memref_squeeze %dma_start3A_27 : memref<1x80xi32, #tpu.memory_space<vmem>> -> memref<80xi32, #tpu.memory_space<vmem>>
    %dma_start3A_29 = arith.constant 0 : i32
    %dma_start3A_30 = arith.constant 0 : i32
    %dma_start3A_31 = tpu.memref_slice %arg12[%dma_start3A_29, %dma_start3A_30] : memref<10000x128xf32, #tpu.memory_space<vmem_shared>> -> memref<10000x128xf32, #tpu.memory_space<vmem_shared>>
    tpu.enqueue_indirect_dma source(%arg10 : memref<80x128xf32, #tpu.memory_space<vmem>>) target(%dma_start3A_31 : memref<10000x128xf32, #tpu.memory_space<vmem_shared>>) offsets(%dma_start3A_28 : memref<80xi32, #tpu.memory_space<vmem>>) semaphore(%arg17 : memref<!tpu.dma_semaphore, #tpu.memory_space<semaphore_mem>>) {add = true}
    %add3A_32 = arith.constant 80 : i32
    %add3A_33 = arith.addi %mul3A_8, %add3A_32 : i32
    %dma_wait3A_34 = tpu.memref_slice %arg3[%add3A_33] : memref<320000xi32, #tpu.memory_space<hbm>> -> memref<80xi32, #tpu.memory_space<hbm>>
    %dma_wait3A_35 = tpu.memref_slice %arg3[%add3A_33] : memref<320000xi32, #tpu.memory_space<hbm>> -> memref<80xi32, #tpu.memory_space<hbm>>
    tpu.wait_dma2 semaphore(%arg14 : memref<!tpu.dma_semaphore, #tpu.memory_space<semaphore_mem>>) src(%dma_wait3A_35 : memref<80xi32, #tpu.memory_space<hbm>>) dst(%arg9 : memref<80xi32, #tpu.memory_space<vmem>>)
    %dma_start3A_36 = arith.constant 0 : i32
    %dma_start3A_37 = arith.constant 0 : i32
    %dma_start3A_38 = tpu.memref_slice %arg2[%dma_start3A_36, %dma_start3A_37] : memref<10000x128xf32, #tpu.memory_space<hbm>> -> memref<10000x128xf32, #tpu.memory_space<hbm>>
    tpu.enqueue_indirect_dma source(%dma_start3A_38 : memref<10000x128xf32, #tpu.memory_space<hbm>>) target(%arg11 : memref<80x128xf32, #tpu.memory_space<vmem>>) offsets(%arg9 : memref<80xi32, #tpu.memory_space<vmem>>) semaphore(%arg16 : memref<!tpu.dma_semaphore, #tpu.memory_space<semaphore_mem>>)
    %add3A_39 = arith.constant 160 : i32
    %add3A_40 = arith.addi %mul3A_8, %add3A_39 : i32
    %dma_start3A_41 = tpu.memref_slice %arg3[%add3A_40] : memref<320000xi32, #tpu.memory_space<hbm>> -> memref<80xi32, #tpu.memory_space<hbm>>
    %dma_start3A_42 = tpu.memref_slice %arg3[%add3A_40] : memref<320000xi32, #tpu.memory_space<hbm>> -> memref<80xi32, #tpu.memory_space<hbm>>
    tpu.enqueue_dma source(%dma_start3A_42 : memref<80xi32, #tpu.memory_space<hbm>>) target(%arg8 : memref<80xi32, #tpu.memory_space<vmem>>) target_semaphore(%arg13 : memref<!tpu.dma_semaphore, #tpu.memory_space<semaphore_mem>>)
    %dma_wait3A_43 = arith.constant 0 : i32
    %dma_wait3A_44 = arith.constant 0 : i32
    %dma_wait3A_45 = tpu.memref_slice %arg2[%dma_wait3A_43, %dma_wait3A_44] : memref<10000x128xf32, #tpu.memory_space<hbm>> -> memref<10000x128xf32, #tpu.memory_space<hbm>>
    tpu.wait_indirect_dma semaphore(%arg16 : memref<!tpu.dma_semaphore, #tpu.memory_space<semaphore_mem>>) src(%dma_wait3A_45 : memref<10000x128xf32, #tpu.memory_space<hbm>>) dst(%arg11 : memref<80x128xf32, #tpu.memory_space<vmem>>)
    %dma_start3A_46 = arith.constant 1 : i32
    %dma_start3A_47 = arith.constant 0 : i32
    %dma_start3A_48 = tpu.memref_slice %arg7[%dma_start3A_46, %dma_start3A_47] : memref<125x80xi32, #tpu.memory_space<vmem>> -> memref<1x80xi32, #tpu.memory_space<vmem>>
    %dma_start3A_49 = tpu.memref_squeeze %dma_start3A_48 : memref<1x80xi32, #tpu.memory_space<vmem>> -> memref<80xi32, #tpu.memory_space<vmem>>
    %dma_start3A_50 = arith.constant 0 : i32
    %dma_start3A_51 = arith.constant 0 : i32
    %dma_start3A_52 = tpu.memref_slice %arg12[%dma_start3A_50, %dma_start3A_51] : memref<10000x128xf32, #tpu.memory_space<vmem_shared>> -> memref<10000x128xf32, #tpu.memory_space<vmem_shared>>
    tpu.enqueue_indirect_dma source(%arg11 : memref<80x128xf32, #tpu.memory_space<vmem>>) target(%dma_start3A_52 : memref<10000x128xf32, #tpu.memory_space<vmem_shared>>) offsets(%dma_start3A_49 : memref<80xi32, #tpu.memory_space<vmem>>) semaphore(%arg18 : memref<!tpu.dma_semaphore, #tpu.memory_space<semaphore_mem>>) {add = true}
    %add3A_53 = arith.constant 160 : i32
    %add3A_54 = arith.addi %mul3A_8, %add3A_53 : i32
    %dma_wait3A_55 = tpu.memref_slice %arg3[%add3A_54] : memref<320000xi32, #tpu.memory_space<hbm>> -> memref<80xi32, #tpu.memory_space<hbm>>
    %dma_wait3A_56 = tpu.memref_slice %arg3[%add3A_54] : memref<320000xi32, #tpu.memory_space<hbm>> -> memref<80xi32, #tpu.memory_space<hbm>>
    tpu.wait_dma2 semaphore(%arg13 : memref<!tpu.dma_semaphore, #tpu.memory_space<semaphore_mem>>) src(%dma_wait3A_56 : memref<80xi32, #tpu.memory_space<hbm>>) dst(%arg8 : memref<80xi32, #tpu.memory_space<vmem>>)
    %dma_wait3A_57 = arith.constant 0 : i32
    %dma_wait3A_58 = arith.constant 0 : i32
    %dma_wait3A_59 = tpu.memref_slice %arg7[%dma_wait3A_57, %dma_wait3A_58] : memref<125x80xi32, #tpu.memory_space<vmem>> -> memref<1x80xi32, #tpu.memory_space<vmem>>
    %dma_wait3A_60 = tpu.memref_squeeze %dma_wait3A_59 : memref<1x80xi32, #tpu.memory_space<vmem>> -> memref<80xi32, #tpu.memory_space<vmem>>
    %dma_wait3A_61 = arith.constant 0 : i32
    %dma_wait3A_62 = arith.constant 0 : i32
    %dma_wait3A_63 = tpu.memref_slice %arg12[%dma_wait3A_61, %dma_wait3A_62] : memref<10000x128xf32, #tpu.memory_space<vmem_shared>> -> memref<10000x128xf32, #tpu.memory_space<vmem_shared>>
    tpu.wait_indirect_dma semaphore(%arg17 : memref<!tpu.dma_semaphore, #tpu.memory_space<semaphore_mem>>) src(%arg10 : memref<80x128xf32, #tpu.memory_space<vmem>>) dst(%dma_wait3A_63 : memref<10000x128xf32, #tpu.memory_space<vmem_shared>>)
    %dma_start3A_64 = arith.constant 0 : i32
    %dma_start3A_65 = arith.constant 0 : i32
    %dma_start3A_66 = tpu.memref_slice %arg2[%dma_start3A_64, %dma_start3A_65] : memref<10000x128xf32, #tpu.memory_space<hbm>> -> memref<10000x128xf32, #tpu.memory_space<hbm>>
    tpu.enqueue_indirect_dma source(%dma_start3A_66 : memref<10000x128xf32, #tpu.memory_space<hbm>>) target(%arg10 : memref<80x128xf32, #tpu.memory_space<vmem>>) offsets(%arg8 : memref<80xi32, #tpu.memory_space<vmem>>) semaphore(%arg15 : memref<!tpu.dma_semaphore, #tpu.memory_space<semaphore_mem>>)
    %add3A_67 = arith.constant 240 : i32
    %add3A_68 = arith.addi %mul3A_8, %add3A_67 : i32
    %dma_start3A_69 = tpu.memref_slice %arg3[%add3A_68] : memref<320000xi32, #tpu.memory_space<hbm>> -> memref<80xi32, #tpu.memory_space<hbm>>
    %dma_start3A_70 = tpu.memref_slice %arg3[%add3A_68] : memref<320000xi32, #tpu.memory_space<hbm>> -> memref<80xi32, #tpu.memory_space<hbm>>
    tpu.enqueue_dma source(%dma_start3A_70 : memref<80xi32, #tpu.memory_space<hbm>>) target(%arg9 : memref<80xi32, #tpu.memory_space<vmem>>) target_semaphore(%arg14 : memref<!tpu.dma_semaphore, #tpu.memory_space<semaphore_mem>>)
    %scan3A = arith.constant 0 : i32
    %scan3A_71 = arith.constant 1 : i32
    %scan3A_72 = arith.constant 61 : i32
    %scan3A_73 = arith.addi %scan3A_71, %scan3A_72 : i32
    %scan3A_74 = arith.constant 1 : i32
    scf.for %scan3A_110 = %scan3A_71 to %scan3A_73 step %scan3A_74  : i32 {
      %mul3A_111 = arith.constant 2 : i32
      %mul3A_112 = arith.muli %mul3A_111, %scan3A_110 : i32
      %add3A_113 = arith.constant 0 : i32
      %add3A_114 = arith.addi %mul3A_112, %add3A_113 : i32
      %dma_wait3A_115 = arith.constant 0 : i32
      %dma_wait3A_116 = arith.constant 0 : i32
      %dma_wait3A_117 = tpu.memref_slice %arg2[%dma_wait3A_115, %dma_wait3A_116] : memref<10000x128xf32, #tpu.memory_space<hbm>> -> memref<10000x128xf32, #tpu.memory_space<hbm>>
      tpu.wait_indirect_dma semaphore(%arg15 : memref<!tpu.dma_semaphore, #tpu.memory_space<semaphore_mem>>) src(%dma_wait3A_117 : memref<10000x128xf32, #tpu.memory_space<hbm>>) dst(%arg10 : memref<80x128xf32, #tpu.memory_space<vmem>>)
      %sub3A = arith.constant 1 : i32
      %sub3A_118 = arith.subi %add3A_114, %sub3A : i32
      %dma_wait3A_119 = arith.constant 0 : i32
      %dma_wait3A_120 = tpu.memref_slice %arg7[%sub3A_118, %dma_wait3A_119] : memref<125x80xi32, #tpu.memory_space<vmem>> -> memref<1x80xi32, #tpu.memory_space<vmem>>
      %dma_wait3A_121 = tpu.memref_squeeze %dma_wait3A_120 : memref<1x80xi32, #tpu.memory_space<vmem>> -> memref<80xi32, #tpu.memory_space<vmem>>
      %dma_wait3A_122 = arith.constant 0 : i32
      %dma_wait3A_123 = arith.constant 0 : i32
      %dma_wait3A_124 = tpu.memref_slice %arg12[%dma_wait3A_122, %dma_wait3A_123] : memref<10000x128xf32, #tpu.memory_space<vmem_shared>> -> memref<10000x128xf32, #tpu.memory_space<vmem_shared>>
      tpu.wait_indirect_dma semaphore(%arg18 : memref<!tpu.dma_semaphore, #tpu.memory_space<semaphore_mem>>) src(%arg11 : memref<80x128xf32, #tpu.memory_space<vmem>>) dst(%dma_wait3A_124 : memref<10000x128xf32, #tpu.memory_space<vmem_shared>>)
      %dma_start3A_125 = arith.constant 0 : i32
      %dma_start3A_126 = tpu.memref_slice %arg7[%add3A_114, %dma_start3A_125] : memref<125x80xi32, #tpu.memory_space<vmem>> -> memref<1x80xi32, #tpu.memory_space<vmem>>
      %dma_start3A_127 = tpu.memref_squeeze %dma_start3A_126 : memref<1x80xi32, #tpu.memory_space<vmem>> -> memref<80xi32, #tpu.memory_space<vmem>>
      %dma_start3A_128 = arith.constant 0 : i32
      %dma_start3A_129 = arith.constant 0 : i32
      %dma_start3A_130 = tpu.memref_slice %arg12[%dma_start3A_128, %dma_start3A_129] : memref<10000x128xf32, #tpu.memory_space<vmem_shared>> -> memref<10000x128xf32, #tpu.memory_space<vmem_shared>>
      tpu.enqueue_indirect_dma source(%arg10 : memref<80x128xf32, #tpu.memory_space<vmem>>) target(%dma_start3A_130 : memref<10000x128xf32, #tpu.memory_space<vmem_shared>>) offsets(%dma_start3A_127 : memref<80xi32, #tpu.memory_space<vmem>>) semaphore(%arg17 : memref<!tpu.dma_semaphore, #tpu.memory_space<semaphore_mem>>) {add = true}
      %add3A_131 = arith.constant 1 : i32
      %add3A_132 = arith.addi %add3A_114, %add3A_131 : i32
      %mul3A_133 = arith.constant 80 : i32
      %mul3A_134 = arith.muli %add3A_132, %mul3A_133 : i32
      %add3A_135 = arith.addi %mul3A_8, %mul3A_134 : i32
      %dma_wait3A_136 = tpu.memref_slice %arg3[%add3A_135] : memref<320000xi32, #tpu.memory_space<hbm>> -> memref<80xi32, #tpu.memory_space<hbm>>
      %dma_wait3A_137 = tpu.memref_slice %arg3[%add3A_135] : memref<320000xi32, #tpu.memory_space<hbm>> -> memref<80xi32, #tpu.memory_space<hbm>>
      tpu.wait_dma2 semaphore(%arg14 : memref<!tpu.dma_semaphore, #tpu.memory_space<semaphore_mem>>) src(%dma_wait3A_137 : memref<80xi32, #tpu.memory_space<hbm>>) dst(%arg9 : memref<80xi32, #tpu.memory_space<vmem>>)
      %dma_start3A_138 = arith.constant 0 : i32
      %dma_start3A_139 = arith.constant 0 : i32
      %dma_start3A_140 = tpu.memref_slice %arg2[%dma_start3A_138, %dma_start3A_139] : memref<10000x128xf32, #tpu.memory_space<hbm>> -> memref<10000x128xf32, #tpu.memory_space<hbm>>
      tpu.enqueue_indirect_dma source(%dma_start3A_140 : memref<10000x128xf32, #tpu.memory_space<hbm>>) target(%arg11 : memref<80x128xf32, #tpu.memory_space<vmem>>) offsets(%arg9 : memref<80xi32, #tpu.memory_space<vmem>>) semaphore(%arg16 : memref<!tpu.dma_semaphore, #tpu.memory_space<semaphore_mem>>)
      %add3A_141 = arith.constant 2 : i32
      %add3A_142 = arith.addi %add3A_114, %add3A_141 : i32
      %le3A = arith.constant 124 : i32
      %le3A_143 = arith.cmpi sle, %add3A_142, %le3A : i32
      %convert_element_type3A_144 = arith.extui %le3A_143 : i1 to i32
      %cond3A_145 = arith.constant 0 : i32
      %cond3A_146 = arith.cmpi ne, %convert_element_type3A_144, %cond3A_145 : i32
      scf.if %cond3A_146 {
        %add3A_185 = arith.constant 2 : i32
        %add3A_186 = arith.addi %add3A_114, %add3A_185 : i32
        %mul3A_187 = arith.constant 80 : i32
        %mul3A_188 = arith.muli %add3A_186, %mul3A_187 : i32
        %add3A_189 = arith.addi %mul3A_8, %mul3A_188 : i32
        %dma_start3A_190 = tpu.memref_slice %arg3[%add3A_189] : memref<320000xi32, #tpu.memory_space<hbm>> -> memref<80xi32, #tpu.memory_space<hbm>>
        %dma_start3A_191 = tpu.memref_slice %arg3[%add3A_189] : memref<320000xi32, #tpu.memory_space<hbm>> -> memref<80xi32, #tpu.memory_space<hbm>>
        tpu.enqueue_dma source(%dma_start3A_191 : memref<80xi32, #tpu.memory_space<hbm>>) target(%arg8 : memref<80xi32, #tpu.memory_space<vmem>>) target_semaphore(%arg13 : memref<!tpu.dma_semaphore, #tpu.memory_space<semaphore_mem>>)
      } else {
      }
      %mul3A_147 = arith.constant 2 : i32
      %mul3A_148 = arith.muli %mul3A_147, %scan3A_110 : i32
      %add3A_149 = arith.constant 1 : i32
      %add3A_150 = arith.addi %mul3A_148, %add3A_149 : i32
      %dma_wait3A_151 = arith.constant 0 : i32
      %dma_wait3A_152 = arith.constant 0 : i32
      %dma_wait3A_153 = tpu.memref_slice %arg2[%dma_wait3A_151, %dma_wait3A_152] : memref<10000x128xf32, #tpu.memory_space<hbm>> -> memref<10000x128xf32, #tpu.memory_space<hbm>>
      tpu.wait_indirect_dma semaphore(%arg16 : memref<!tpu.dma_semaphore, #tpu.memory_space<semaphore_mem>>) src(%dma_wait3A_153 : memref<10000x128xf32, #tpu.memory_space<hbm>>) dst(%arg11 : memref<80x128xf32, #tpu.memory_space<vmem>>)
      %sub3A_154 = arith.constant 1 : i32
      %sub3A_155 = arith.subi %add3A_150, %sub3A_154 : i32
      %dma_wait3A_156 = arith.constant 0 : i32
      %dma_wait3A_157 = tpu.memref_slice %arg7[%sub3A_155, %dma_wait3A_156] : memref<125x80xi32, #tpu.memory_space<vmem>> -> memref<1x80xi32, #tpu.memory_space<vmem>>
      %dma_wait3A_158 = tpu.memref_squeeze %dma_wait3A_157 : memref<1x80xi32, #tpu.memory_space<vmem>> -> memref<80xi32, #tpu.memory_space<vmem>>
      %dma_wait3A_159 = arith.constant 0 : i32
      %dma_wait3A_160 = arith.constant 0 : i32
      %dma_wait3A_161 = tpu.memref_slice %arg12[%dma_wait3A_159, %dma_wait3A_160] : memref<10000x128xf32, #tpu.memory_space<vmem_shared>> -> memref<10000x128xf32, #tpu.memory_space<vmem_shared>>
      tpu.wait_indirect_dma semaphore(%arg17 : memref<!tpu.dma_semaphore, #tpu.memory_space<semaphore_mem>>) src(%arg10 : memref<80x128xf32, #tpu.memory_space<vmem>>) dst(%dma_wait3A_161 : memref<10000x128xf32, #tpu.memory_space<vmem_shared>>)
      %dma_start3A_162 = arith.constant 0 : i32
      %dma_start3A_163 = tpu.memref_slice %arg7[%add3A_150, %dma_start3A_162] : memref<125x80xi32, #tpu.memory_space<vmem>> -> memref<1x80xi32, #tpu.memory_space<vmem>>
      %dma_start3A_164 = tpu.memref_squeeze %dma_start3A_163 : memref<1x80xi32, #tpu.memory_space<vmem>> -> memref<80xi32, #tpu.memory_space<vmem>>
      %dma_start3A_165 = arith.constant 0 : i32
      %dma_start3A_166 = arith.constant 0 : i32
      %dma_start3A_167 = tpu.memref_slice %arg12[%dma_start3A_165, %dma_start3A_166] : memref<10000x128xf32, #tpu.memory_space<vmem_shared>> -> memref<10000x128xf32, #tpu.memory_space<vmem_shared>>
      tpu.enqueue_indirect_dma source(%arg11 : memref<80x128xf32, #tpu.memory_space<vmem>>) target(%dma_start3A_167 : memref<10000x128xf32, #tpu.memory_space<vmem_shared>>) offsets(%dma_start3A_164 : memref<80xi32, #tpu.memory_space<vmem>>) semaphore(%arg18 : memref<!tpu.dma_semaphore, #tpu.memory_space<semaphore_mem>>) {add = true}
      %add3A_168 = arith.constant 1 : i32
      %add3A_169 = arith.addi %add3A_150, %add3A_168 : i32
      %mul3A_170 = arith.constant 80 : i32
      %mul3A_171 = arith.muli %add3A_169, %mul3A_170 : i32
      %add3A_172 = arith.addi %mul3A_8, %mul3A_171 : i32
      %dma_wait3A_173 = tpu.memref_slice %arg3[%add3A_172] : memref<320000xi32, #tpu.memory_space<hbm>> -> memref<80xi32, #tpu.memory_space<hbm>>
      %dma_wait3A_174 = tpu.memref_slice %arg3[%add3A_172] : memref<320000xi32, #tpu.memory_space<hbm>> -> memref<80xi32, #tpu.memory_space<hbm>>
      tpu.wait_dma2 semaphore(%arg13 : memref<!tpu.dma_semaphore, #tpu.memory_space<semaphore_mem>>) src(%dma_wait3A_174 : memref<80xi32, #tpu.memory_space<hbm>>) dst(%arg8 : memref<80xi32, #tpu.memory_space<vmem>>)
      %dma_start3A_175 = arith.constant 0 : i32
      %dma_start3A_176 = arith.constant 0 : i32
      %dma_start3A_177 = tpu.memref_slice %arg2[%dma_start3A_175, %dma_start3A_176] : memref<10000x128xf32, #tpu.memory_space<hbm>> -> memref<10000x128xf32, #tpu.memory_space<hbm>>
      tpu.enqueue_indirect_dma source(%dma_start3A_177 : memref<10000x128xf32, #tpu.memory_space<hbm>>) target(%arg10 : memref<80x128xf32, #tpu.memory_space<vmem>>) offsets(%arg8 : memref<80xi32, #tpu.memory_space<vmem>>) semaphore(%arg15 : memref<!tpu.dma_semaphore, #tpu.memory_space<semaphore_mem>>)
      %add3A_178 = arith.constant 2 : i32
      %add3A_179 = arith.addi %add3A_150, %add3A_178 : i32
      %le3A_180 = arith.constant 124 : i32
      %le3A_181 = arith.cmpi sle, %add3A_179, %le3A_180 : i32
      %convert_element_type3A_182 = arith.extui %le3A_181 : i1 to i32
      %cond3A_183 = arith.constant 0 : i32
      %cond3A_184 = arith.cmpi ne, %convert_element_type3A_182, %cond3A_183 : i32
      scf.if %cond3A_184 {
        %add3A_185 = arith.constant 2 : i32
        %add3A_186 = arith.addi %add3A_150, %add3A_185 : i32
        %mul3A_187 = arith.constant 80 : i32
        %mul3A_188 = arith.muli %add3A_186, %mul3A_187 : i32
        %add3A_189 = arith.addi %mul3A_8, %mul3A_188 : i32
        %dma_start3A_190 = tpu.memref_slice %arg3[%add3A_189] : memref<320000xi32, #tpu.memory_space<hbm>> -> memref<80xi32, #tpu.memory_space<hbm>>
        %dma_start3A_191 = tpu.memref_slice %arg3[%add3A_189] : memref<320000xi32, #tpu.memory_space<hbm>> -> memref<80xi32, #tpu.memory_space<hbm>>
        tpu.enqueue_dma source(%dma_start3A_191 : memref<80xi32, #tpu.memory_space<hbm>>) target(%arg9 : memref<80xi32, #tpu.memory_space<vmem>>) target_semaphore(%arg14 : memref<!tpu.dma_semaphore, #tpu.memory_space<semaphore_mem>>)
      } else {
      }
    }
    %scan3A_75 = arith.constant 61 : i32
    %dma_wait3A_76 = arith.constant 0 : i32
    %dma_wait3A_77 = arith.constant 0 : i32
    %dma_wait3A_78 = tpu.memref_slice %arg2[%dma_wait3A_76, %dma_wait3A_77] : memref<10000x128xf32, #tpu.memory_space<hbm>> -> memref<10000x128xf32, #tpu.memory_space<hbm>>
    tpu.wait_indirect_dma semaphore(%arg15 : memref<!tpu.dma_semaphore, #tpu.memory_space<semaphore_mem>>) src(%dma_wait3A_78 : memref<10000x128xf32, #tpu.memory_space<hbm>>) dst(%arg10 : memref<80x128xf32, #tpu.memory_space<vmem>>)
    %dma_wait3A_79 = arith.constant 123 : i32
    %dma_wait3A_80 = arith.constant 0 : i32
    %dma_wait3A_81 = tpu.memref_slice %arg7[%dma_wait3A_79, %dma_wait3A_80] : memref<125x80xi32, #tpu.memory_space<vmem>> -> memref<1x80xi32, #tpu.memory_space<vmem>>
    %dma_wait3A_82 = tpu.memref_squeeze %dma_wait3A_81 : memref<1x80xi32, #tpu.memory_space<vmem>> -> memref<80xi32, #tpu.memory_space<vmem>>
    %dma_wait3A_83 = arith.constant 0 : i32
    %dma_wait3A_84 = arith.constant 0 : i32
    %dma_wait3A_85 = tpu.memref_slice %arg12[%dma_wait3A_83, %dma_wait3A_84] : memref<10000x128xf32, #tpu.memory_space<vmem_shared>> -> memref<10000x128xf32, #tpu.memory_space<vmem_shared>>
    tpu.wait_indirect_dma semaphore(%arg18 : memref<!tpu.dma_semaphore, #tpu.memory_space<semaphore_mem>>) src(%arg11 : memref<80x128xf32, #tpu.memory_space<vmem>>) dst(%dma_wait3A_85 : memref<10000x128xf32, #tpu.memory_space<vmem_shared>>)
    %dma_start3A_86 = arith.constant 124 : i32
    %dma_start3A_87 = arith.constant 0 : i32
    %dma_start3A_88 = tpu.memref_slice %arg7[%dma_start3A_86, %dma_start3A_87] : memref<125x80xi32, #tpu.memory_space<vmem>> -> memref<1x80xi32, #tpu.memory_space<vmem>>
    %dma_start3A_89 = tpu.memref_squeeze %dma_start3A_88 : memref<1x80xi32, #tpu.memory_space<vmem>> -> memref<80xi32, #tpu.memory_space<vmem>>
    %dma_start3A_90 = arith.constant 0 : i32
    %dma_start3A_91 = arith.constant 0 : i32
    %dma_start3A_92 = tpu.memref_slice %arg12[%dma_start3A_90, %dma_start3A_91] : memref<10000x128xf32, #tpu.memory_space<vmem_shared>> -> memref<10000x128xf32, #tpu.memory_space<vmem_shared>>
    tpu.enqueue_indirect_dma source(%arg10 : memref<80x128xf32, #tpu.memory_space<vmem>>) target(%dma_start3A_92 : memref<10000x128xf32, #tpu.memory_space<vmem_shared>>) offsets(%dma_start3A_89 : memref<80xi32, #tpu.memory_space<vmem>>) semaphore(%arg17 : memref<!tpu.dma_semaphore, #tpu.memory_space<semaphore_mem>>) {add = true}
    %dma_wait3A_93 = arith.constant 124 : i32
    %dma_wait3A_94 = arith.constant 0 : i32
    %dma_wait3A_95 = tpu.memref_slice %arg7[%dma_wait3A_93, %dma_wait3A_94] : memref<125x80xi32, #tpu.memory_space<vmem>> -> memref<1x80xi32, #tpu.memory_space<vmem>>
    %dma_wait3A_96 = tpu.memref_squeeze %dma_wait3A_95 : memref<1x80xi32, #tpu.memory_space<vmem>> -> memref<80xi32, #tpu.memory_space<vmem>>
    %dma_wait3A_97 = arith.constant 0 : i32
    %dma_wait3A_98 = arith.constant 0 : i32
    %dma_wait3A_99 = tpu.memref_slice %arg12[%dma_wait3A_97, %dma_wait3A_98] : memref<10000x128xf32, #tpu.memory_space<vmem_shared>> -> memref<10000x128xf32, #tpu.memory_space<vmem_shared>>
    tpu.wait_indirect_dma semaphore(%arg17 : memref<!tpu.dma_semaphore, #tpu.memory_space<semaphore_mem>>) src(%arg10 : memref<80x128xf32, #tpu.memory_space<vmem>>) dst(%dma_wait3A_99 : memref<10000x128xf32, #tpu.memory_space<vmem_shared>>)
    %barrier3A_100 = arith.constant 0 : index
    tpu.barrier barrier_id(%barrier3A_100)
    %mul3A_101 = arith.constant 624 : i32
    %mul3A_102 = arith.muli %arg1, %mul3A_101 : i32
    %mul3A_103 = arith.constant 624 : i32
    %mul3A_104 = arith.muli %arg1, %mul3A_103 : i32
    "tpu.region"() ({
      %run_scoped3A = tpu.sem_alloc : memref<!tpu.dma_semaphore, #tpu.memory_space<semaphore_mem>>
      %dma_start3A_110 = arith.constant 0 : i32
      %dma_start3A_111 = tpu.memref_slice %arg6[%arg0, %mul3A_104, %dma_start3A_110] : memref<2x10000x128xf32, #tpu.memory_space<hbm>> -> memref<1x624x128xf32, #tpu.memory_space<hbm>>
      %dma_start3A_112 = tpu.memref_squeeze %dma_start3A_111 : memref<1x624x128xf32, #tpu.memory_space<hbm>> -> memref<624x128xf32, #tpu.memory_space<hbm>>
      %dma_start3A_113 = arith.constant 0 : i32
      %dma_start3A_114 = tpu.memref_slice %arg12[%mul3A_102, %dma_start3A_113] : memref<10000x128xf32, #tpu.memory_space<vmem_shared>> -> memref<624x128xf32, #tpu.memory_space<vmem_shared>>
      tpu.enqueue_dma source(%dma_start3A_114 : memref<624x128xf32, #tpu.memory_space<vmem_shared>>) target(%dma_start3A_112 : memref<624x128xf32, #tpu.memory_space<hbm>>) target_semaphore(%run_scoped3A : memref<!tpu.dma_semaphore, #tpu.memory_space<semaphore_mem>>)
      %dma_wait3A_115 = arith.constant 0 : i32
      %dma_wait3A_116 = tpu.memref_slice %arg6[%arg0, %mul3A_104, %dma_wait3A_115] : memref<2x10000x128xf32, #tpu.memory_space<hbm>> -> memref<1x624x128xf32, #tpu.memory_space<hbm>>
      %dma_wait3A_117 = tpu.memref_squeeze %dma_wait3A_116 : memref<1x624x128xf32, #tpu.memory_space<hbm>> -> memref<624x128xf32, #tpu.memory_space<hbm>>
      %dma_wait3A_118 = arith.constant 0 : i32
      %dma_wait3A_119 = tpu.memref_slice %arg12[%mul3A_102, %dma_wait3A_118] : memref<10000x128xf32, #tpu.memory_space<vmem_shared>> -> memref<624x128xf32, #tpu.memory_space<vmem_shared>>
      tpu.wait_dma2 semaphore(%run_scoped3A : memref<!tpu.dma_semaphore, #tpu.memory_space<semaphore_mem>>) src(%dma_wait3A_119 : memref<624x128xf32, #tpu.memory_space<vmem_shared>>) dst(%dma_wait3A_117 : memref<624x128xf32, #tpu.memory_space<hbm>>)
      tpu.yield
    }) : () -> ()
    %eq3A_105 = arith.constant 15 : i32
    %eq3A_106 = arith.cmpi eq, %arg1, %eq3A_105 : i32
    %convert_element_type3A_107 = arith.extui %eq3A_106 : i1 to i32
    %cond3A_108 = arith.constant 0 : i32
    %cond3A_109 = arith.cmpi ne, %convert_element_type3A_107, %cond3A_108 : i32
    scf.if %cond3A_109 {
      "tpu.region"() ({
        %run_scoped3A = tpu.sem_alloc : memref<!tpu.dma_semaphore, #tpu.memory_space<semaphore_mem>>
        %dma_start3A_110 = arith.constant 9984 : i32
        %dma_start3A_111 = arith.constant 0 : i32
        %dma_start3A_112 = tpu.memref_slice %arg6[%arg0, %dma_start3A_110, %dma_start3A_111] : memref<2x10000x128xf32, #tpu.memory_space<hbm>> -> memref<1x16x128xf32, #tpu.memory_space<hbm>>
        %dma_start3A_113 = tpu.memref_squeeze %dma_start3A_112 : memref<1x16x128xf32, #tpu.memory_space<hbm>> -> memref<16x128xf32, #tpu.memory_space<hbm>>
        %dma_start3A_114 = arith.constant 9984 : i32
        %dma_start3A_115 = arith.constant 0 : i32
        %dma_start3A_116 = tpu.memref_slice %arg12[%dma_start3A_114, %dma_start3A_115] : memref<10000x128xf32, #tpu.memory_space<vmem_shared>> -> memref<16x128xf32, #tpu.memory_space<vmem_shared>>
        tpu.enqueue_dma source(%dma_start3A_116 : memref<16x128xf32, #tpu.memory_space<vmem_shared>>) target(%dma_start3A_113 : memref<16x128xf32, #tpu.memory_space<hbm>>) target_semaphore(%run_scoped3A : memref<!tpu.dma_semaphore, #tpu.memory_space<semaphore_mem>>)
        %dma_wait3A_117 = arith.constant 9984 : i32
        %dma_wait3A_118 = arith.constant 0 : i32
        %dma_wait3A_119 = tpu.memref_slice %arg6[%arg0, %dma_wait3A_117, %dma_wait3A_118] : memref<2x10000x128xf32, #tpu.memory_space<hbm>> -> memref<1x16x128xf32, #tpu.memory_space<hbm>>
        %dma_wait3A_120 = tpu.memref_squeeze %dma_wait3A_119 : memref<1x16x128xf32, #tpu.memory_space<hbm>> -> memref<16x128xf32, #tpu.memory_space<hbm>>
        %dma_wait3A_121 = arith.constant 9984 : i32
        %dma_wait3A_122 = arith.constant 0 : i32
        %dma_wait3A_123 = tpu.memref_slice %arg12[%dma_wait3A_121, %dma_wait3A_122] : memref<10000x128xf32, #tpu.memory_space<vmem_shared>> -> memref<16x128xf32, #tpu.memory_space<vmem_shared>>
        tpu.wait_dma2 semaphore(%run_scoped3A : memref<!tpu.dma_semaphore, #tpu.memory_space<semaphore_mem>>) src(%dma_wait3A_123 : memref<16x128xf32, #tpu.memory_space<vmem_shared>>) dst(%dma_wait3A_120 : memref<16x128xf32, #tpu.memory_space<hbm>>)
        tpu.yield
      }) : () -> ()
    } else {
    }
    return
  }
}

module attributes {stable_mosaic.version = 14 : i64} {
  func.func @_z1_body(%arg0: memref<10000x128xf32, #tpu.memory_space<vmem>>, %arg1: memref<128x128xf32, #tpu.memory_space<vmem>>, %arg2: memref<2x10000x128xf32, #tpu.memory_space<vmem>>, %arg3: memref<10000x128xf32, #tpu.memory_space<vmem>>) attributes {dimension_semantics = [], scalar_prefetch = 0 : i64, scratch_operands = 0 : i64, tpu.core_type = #tpu.core_type<tc>} {
    %get3A = arith.constant 0 : index
    %get3A_0 = arith.constant 0 : index
    %get3A_1 = vector.load %arg0[%get3A, %get3A_0] : memref<10000x128xf32, #tpu.memory_space<vmem>>, vector<10000x128xf32>
    %get3A_2 = arith.constant 0 : index
    %get3A_3 = arith.constant 0 : index
    %get3A_4 = vector.load %arg1[%get3A_2, %get3A_3] : memref<128x128xf32, #tpu.memory_space<vmem>>, vector<128x128xf32>
    %dot_general3A = arith.constant dense<0.000000e+00> : vector<10000x128xf32>
    %dot_general3A_5 = tpu.matmul %get3A_1, %get3A_4, %dot_general3A {dimension_numbers = #tpu.dot_dimension_numbers<[1], [0], [0], [1], [0, 0, 1, 1], [], []>, transpose_lhs_hint = false} : vector<10000x128xf32>, vector<128x128xf32>, vector<10000x128xf32> -> vector<10000x128xf32>
    %get3A_6 = arith.constant 0 : index
    %get3A_7 = arith.constant 0 : index
    %get3A_8 = arith.constant 0 : index
    %get3A_9 = vector.load %arg2[%get3A_6, %get3A_7, %get3A_8] : memref<2x10000x128xf32, #tpu.memory_space<vmem>>, vector<1x10000x1xf32>
    %get3A_10 = vector.shape_cast %get3A_9 : vector<1x10000x1xf32> to vector<10000x1xf32>
    %get3A_11 = arith.constant 1 : index
    %get3A_12 = arith.constant 0 : index
    %get3A_13 = arith.constant 0 : index
    %get3A_14 = vector.load %arg2[%get3A_11, %get3A_12, %get3A_13] : memref<2x10000x128xf32, #tpu.memory_space<vmem>>, vector<1x10000x1xf32>
    %get3A_15 = vector.shape_cast %get3A_14 : vector<1x10000x1xf32> to vector<10000x1xf32>
    %add3A = arith.addf %get3A_10, %get3A_15 : vector<10000x1xf32>
    %add3A_16 = arith.constant 1.000000e+00 : f32
    %add3A_17 = vector.broadcast %add3A_16 : f32 to vector<10000x1xf32>
    %add3A_18 = arith.addf %add3A, %add3A_17 : vector<10000x1xf32>
    %rsqrt3A = math.rsqrt %add3A_18 : vector<10000x1xf32>
    %mul3A = vector.broadcast %rsqrt3A : vector<10000x1xf32> to vector<10000x128xf32>
    %mul3A_19 = arith.mulf %dot_general3A_5, %mul3A : vector<10000x128xf32>
    %swap3A = arith.constant 0 : index
    %swap3A_20 = arith.constant 0 : index
    %swap3A_21 = vector.load %arg3[%swap3A, %swap3A_20] : memref<10000x128xf32, #tpu.memory_space<vmem>>, vector<10000x128xf32>
    tpu.vector_store %arg3[%swap3A, %swap3A_20], %mul3A_19 {strides = array<i32>} : memref<10000x128xf32, #tpu.memory_space<vmem>>, vector<10000x128xf32>,
    return
  }
}

module attributes {stable_mosaic.version = 14 : i64} {
  func.func @_mid_body(%arg0: memref<2x10000x128xf32, #tpu.memory_space<vmem>>, %arg1: memref<10000x128xf32, #tpu.memory_space<vmem>>, %arg2: memref<2x10000x128xf32, #tpu.memory_space<vmem>>, %arg3: memref<1x128xf32, #tpu.memory_space<vmem>>, %arg4: memref<1x128xf32, #tpu.memory_space<vmem>>, %arg5: memref<1x128xf32, #tpu.memory_space<vmem>>, %arg6: memref<128x128xf32, #tpu.memory_space<vmem>>, %arg7: memref<10000x128xf32, #tpu.memory_space<vmem>>) attributes {dimension_semantics = [], scalar_prefetch = 0 : i64, scratch_operands = 0 : i64, tpu.core_type = #tpu.core_type<tc>} {
    %get3A = arith.constant 0 : index
    %get3A_0 = arith.constant 0 : index
    %get3A_1 = arith.constant 0 : index
    %get3A_2 = vector.load %arg2[%get3A, %get3A_0, %get3A_1] : memref<2x10000x128xf32, #tpu.memory_space<vmem>>, vector<1x10000x1xf32>
    %get3A_3 = vector.shape_cast %get3A_2 : vector<1x10000x1xf32> to vector<10000x1xf32>
    %get3A_4 = arith.constant 1 : index
    %get3A_5 = arith.constant 0 : index
    %get3A_6 = arith.constant 0 : index
    %get3A_7 = vector.load %arg2[%get3A_4, %get3A_5, %get3A_6] : memref<2x10000x128xf32, #tpu.memory_space<vmem>>, vector<1x10000x1xf32>
    %get3A_8 = vector.shape_cast %get3A_7 : vector<1x10000x1xf32> to vector<10000x1xf32>
    %add3A = arith.addf %get3A_3, %get3A_8 : vector<10000x1xf32>
    %add3A_9 = arith.constant 1.000000e+00 : f32
    %add3A_10 = vector.broadcast %add3A_9 : f32 to vector<10000x1xf32>
    %add3A_11 = arith.addf %add3A, %add3A_10 : vector<10000x1xf32>
    %rsqrt3A = math.rsqrt %add3A_11 : vector<10000x1xf32>
    %get3A_12 = arith.constant 0 : index
    %get3A_13 = arith.constant 0 : index
    %get3A_14 = arith.constant 0 : index
    %get3A_15 = vector.load %arg0[%get3A_12, %get3A_13, %get3A_14] : memref<2x10000x128xf32, #tpu.memory_space<vmem>>, vector<1x10000x128xf32>
    %get3A_16 = vector.shape_cast %get3A_15 : vector<1x10000x128xf32> to vector<10000x128xf32>
    %get3A_17 = arith.constant 1 : index
    %get3A_18 = arith.constant 0 : index
    %get3A_19 = arith.constant 0 : index
    %get3A_20 = vector.load %arg0[%get3A_17, %get3A_18, %get3A_19] : memref<2x10000x128xf32, #tpu.memory_space<vmem>>, vector<1x10000x128xf32>
    %get3A_21 = vector.shape_cast %get3A_20 : vector<1x10000x128xf32> to vector<10000x128xf32>
    %add3A_22 = arith.addf %get3A_16, %get3A_21 : vector<10000x128xf32>
    %get3A_23 = arith.constant 0 : index
    %get3A_24 = arith.constant 0 : index
    %get3A_25 = vector.load %arg1[%get3A_23, %get3A_24] : memref<10000x128xf32, #tpu.memory_space<vmem>>, vector<10000x128xf32>
    %add3A_26 = arith.addf %add3A_22, %get3A_25 : vector<10000x128xf32>
    %mul3A = vector.broadcast %rsqrt3A : vector<10000x1xf32> to vector<10000x128xf32>
    %mul3A_27 = arith.mulf %add3A_26, %mul3A : vector<10000x128xf32>
    %get3A_28 = arith.constant 0 : index
    %get3A_29 = arith.constant 0 : index
    %get3A_30 = vector.load %arg3[%get3A_28, %get3A_29] : memref<1x128xf32, #tpu.memory_space<vmem>>, vector<1x128xf32>
    %add3A_31 = vector.broadcast %get3A_30 : vector<1x128xf32> to vector<10000x128xf32>
    %add3A_32 = arith.addf %mul3A_27, %add3A_31 : vector<10000x128xf32>
    %reduce_sum3A = arith.constant dense<0.000000e+00> : vector<128xf32>
    %reduce_sum3A_33 = vector.multi_reduction <add>, %add3A_32, %reduce_sum3A [0] : vector<10000x128xf32> to vector<128xf32>
    %broadcast_in_dim3A = vector.shape_cast %reduce_sum3A_33 : vector<128xf32> to vector<1x128xf32>
    %div3A = arith.constant 1.000000e+04 : f32
    %div3A_34 = vector.broadcast %div3A : f32 to vector<1x128xf32>
    %div3A_35 = arith.divf %broadcast_in_dim3A, %div3A_34 : vector<1x128xf32>
    %sub3A = vector.broadcast %div3A_35 : vector<1x128xf32> to vector<10000x128xf32>
    %sub3A_36 = arith.subf %add3A_32, %sub3A : vector<10000x128xf32>
    %mul3A_37 = arith.mulf %sub3A_36, %sub3A_36 : vector<10000x128xf32>
    %reduce_sum3A_38 = arith.constant dense<0.000000e+00> : vector<128xf32>
    %reduce_sum3A_39 = vector.multi_reduction <add>, %mul3A_37, %reduce_sum3A_38 [0] : vector<10000x128xf32> to vector<128xf32>
    %broadcast_in_dim3A_40 = vector.shape_cast %reduce_sum3A_39 : vector<128xf32> to vector<1x128xf32>
    %div3A_41 = arith.constant 1.000000e+04 : f32
    %div3A_42 = vector.broadcast %div3A_41 : f32 to vector<1x128xf32>
    %div3A_43 = arith.divf %broadcast_in_dim3A_40, %div3A_42 : vector<1x128xf32>
    %get3A_44 = arith.constant 0 : index
    %get3A_45 = arith.constant 0 : index
    %get3A_46 = vector.load %arg4[%get3A_44, %get3A_45] : memref<1x128xf32, #tpu.memory_space<vmem>>, vector<1x128xf32>
    %mul3A_47 = vector.broadcast %get3A_46 : vector<1x128xf32> to vector<10000x128xf32>
    %mul3A_48 = arith.mulf %mul3A_47, %sub3A_36 : vector<10000x128xf32>
    %add3A_49 = arith.constant 9.99999974E-6 : f32
    %add3A_50 = vector.broadcast %add3A_49 : f32 to vector<1x128xf32>
    %add3A_51 = arith.addf %div3A_43, %add3A_50 : vector<1x128xf32>
    %rsqrt3A_52 = math.rsqrt %add3A_51 : vector<1x128xf32>
    %mul3A_53 = vector.broadcast %rsqrt3A_52 : vector<1x128xf32> to vector<10000x128xf32>
    %mul3A_54 = arith.mulf %mul3A_48, %mul3A_53 : vector<10000x128xf32>
    %get3A_55 = arith.constant 0 : index
    %get3A_56 = arith.constant 0 : index
    %get3A_57 = vector.load %arg5[%get3A_55, %get3A_56] : memref<1x128xf32, #tpu.memory_space<vmem>>, vector<1x128xf32>
    %add3A_58 = vector.broadcast %get3A_57 : vector<1x128xf32> to vector<10000x128xf32>
    %add3A_59 = arith.addf %mul3A_54, %add3A_58 : vector<10000x128xf32>
    %max3A = arith.constant 0.000000e+00 : f32
    %max3A_60 = vector.broadcast %max3A : f32 to vector<10000x128xf32>
    %max3A_61 = arith.maximumf %add3A_59, %max3A_60 : vector<10000x128xf32>
    %get3A_62 = arith.constant 0 : index
    %get3A_63 = arith.constant 0 : index
    %get3A_64 = vector.load %arg6[%get3A_62, %get3A_63] : memref<128x128xf32, #tpu.memory_space<vmem>>, vector<128x128xf32>
    %dot_general3A = arith.constant dense<0.000000e+00> : vector<10000x128xf32>
    %dot_general3A_65 = tpu.matmul %max3A_61, %get3A_64, %dot_general3A {dimension_numbers = #tpu.dot_dimension_numbers<[1], [0], [0], [1], [0, 0, 1, 1], [], []>, transpose_lhs_hint = false} : vector<10000x128xf32>, vector<128x128xf32>, vector<10000x128xf32> -> vector<10000x128xf32>
    %mul3A_66 = vector.broadcast %rsqrt3A : vector<10000x1xf32> to vector<10000x128xf32>
    %mul3A_67 = arith.mulf %dot_general3A_65, %mul3A_66 : vector<10000x128xf32>
    %swap3A = arith.constant 0 : index
    %swap3A_68 = arith.constant 0 : index
    %swap3A_69 = vector.load %arg7[%swap3A, %swap3A_68] : memref<10000x128xf32, #tpu.memory_space<vmem>>, vector<10000x128xf32>
    tpu.vector_store %arg7[%swap3A, %swap3A_68], %mul3A_67 {strides = array<i32>} : memref<10000x128xf32, #tpu.memory_space<vmem>>, vector<10000x128xf32>,
    return
  }
}

module attributes {stable_mosaic.version = 14 : i64} {
  func.func @_final_body(%arg0: memref<2x10000x128xf32, #tpu.memory_space<vmem>>, %arg1: memref<10000x128xf32, #tpu.memory_space<vmem>>, %arg2: memref<2x10000x128xf32, #tpu.memory_space<vmem>>, %arg3: memref<1x128xf32, #tpu.memory_space<vmem>>, %arg4: memref<1x128xf32, #tpu.memory_space<vmem>>, %arg5: memref<1x128xf32, #tpu.memory_space<vmem>>, %arg6: memref<1x10000xi32, #tpu.memory_space<vmem>>, %arg7: memref<128x64xf32, #tpu.memory_space<vmem>>, %arg8: memref<1x64xf32, #tpu.memory_space<vmem>>, %arg9: memref<64x10xf32, #tpu.memory_space<vmem>>, %arg10: memref<1x10xf32, #tpu.memory_space<vmem>>, %arg11: memref<32x10xf32, #tpu.memory_space<vmem>>) attributes {dimension_semantics = [], scalar_prefetch = 0 : i64, scratch_operands = 0 : i64, tpu.core_type = #tpu.core_type<tc>} {
    %get3A = arith.constant 0 : index
    %get3A_0 = arith.constant 0 : index
    %get3A_1 = arith.constant 0 : index
    %get3A_2 = vector.load %arg2[%get3A, %get3A_0, %get3A_1] : memref<2x10000x128xf32, #tpu.memory_space<vmem>>, vector<1x10000x1xf32>
    %get3A_3 = vector.shape_cast %get3A_2 : vector<1x10000x1xf32> to vector<10000x1xf32>
    %get3A_4 = arith.constant 1 : index
    %get3A_5 = arith.constant 0 : index
    %get3A_6 = arith.constant 0 : index
    %get3A_7 = vector.load %arg2[%get3A_4, %get3A_5, %get3A_6] : memref<2x10000x128xf32, #tpu.memory_space<vmem>>, vector<1x10000x1xf32>
    %get3A_8 = vector.shape_cast %get3A_7 : vector<1x10000x1xf32> to vector<10000x1xf32>
    %add3A = arith.addf %get3A_3, %get3A_8 : vector<10000x1xf32>
    %add3A_9 = arith.constant 1.000000e+00 : f32
    %add3A_10 = vector.broadcast %add3A_9 : f32 to vector<10000x1xf32>
    %add3A_11 = arith.addf %add3A, %add3A_10 : vector<10000x1xf32>
    %rsqrt3A = math.rsqrt %add3A_11 : vector<10000x1xf32>
    %get3A_12 = arith.constant 0 : index
    %get3A_13 = arith.constant 0 : index
    %get3A_14 = arith.constant 0 : index
    %get3A_15 = vector.load %arg0[%get3A_12, %get3A_13, %get3A_14] : memref<2x10000x128xf32, #tpu.memory_space<vmem>>, vector<1x10000x128xf32>
    %get3A_16 = vector.shape_cast %get3A_15 : vector<1x10000x128xf32> to vector<10000x128xf32>
    %get3A_17 = arith.constant 1 : index
    %get3A_18 = arith.constant 0 : index
    %get3A_19 = arith.constant 0 : index
    %get3A_20 = vector.load %arg0[%get3A_17, %get3A_18, %get3A_19] : memref<2x10000x128xf32, #tpu.memory_space<vmem>>, vector<1x10000x128xf32>
    %get3A_21 = vector.shape_cast %get3A_20 : vector<1x10000x128xf32> to vector<10000x128xf32>
    %add3A_22 = arith.addf %get3A_16, %get3A_21 : vector<10000x128xf32>
    %get3A_23 = arith.constant 0 : index
    %get3A_24 = arith.constant 0 : index
    %get3A_25 = vector.load %arg1[%get3A_23, %get3A_24] : memref<10000x128xf32, #tpu.memory_space<vmem>>, vector<10000x128xf32>
    %add3A_26 = arith.addf %add3A_22, %get3A_25 : vector<10000x128xf32>
    %mul3A = vector.broadcast %rsqrt3A : vector<10000x1xf32> to vector<10000x128xf32>
    %mul3A_27 = arith.mulf %add3A_26, %mul3A : vector<10000x128xf32>
    %get3A_28 = arith.constant 0 : index
    %get3A_29 = arith.constant 0 : index
    %get3A_30 = vector.load %arg3[%get3A_28, %get3A_29] : memref<1x128xf32, #tpu.memory_space<vmem>>, vector<1x128xf32>
    %add3A_31 = vector.broadcast %get3A_30 : vector<1x128xf32> to vector<10000x128xf32>
    %add3A_32 = arith.addf %mul3A_27, %add3A_31 : vector<10000x128xf32>
    %reduce_sum3A = arith.constant dense<0.000000e+00> : vector<128xf32>
    %reduce_sum3A_33 = vector.multi_reduction <add>, %add3A_32, %reduce_sum3A [0] : vector<10000x128xf32> to vector<128xf32>
    %broadcast_in_dim3A = vector.shape_cast %reduce_sum3A_33 : vector<128xf32> to vector<1x128xf32>
    %div3A = arith.constant 1.000000e+04 : f32
    %div3A_34 = vector.broadcast %div3A : f32 to vector<1x128xf32>
    %div3A_35 = arith.divf %broadcast_in_dim3A, %div3A_34 : vector<1x128xf32>
    %sub3A = vector.broadcast %div3A_35 : vector<1x128xf32> to vector<10000x128xf32>
    %sub3A_36 = arith.subf %add3A_32, %sub3A : vector<10000x128xf32>
    %mul3A_37 = arith.mulf %sub3A_36, %sub3A_36 : vector<10000x128xf32>
    %reduce_sum3A_38 = arith.constant dense<0.000000e+00> : vector<128xf32>
    %reduce_sum3A_39 = vector.multi_reduction <add>, %mul3A_37, %reduce_sum3A_38 [0] : vector<10000x128xf32> to vector<128xf32>
    %broadcast_in_dim3A_40 = vector.shape_cast %reduce_sum3A_39 : vector<128xf32> to vector<1x128xf32>
    %div3A_41 = arith.constant 1.000000e+04 : f32
    %div3A_42 = vector.broadcast %div3A_41 : f32 to vector<1x128xf32>
    %div3A_43 = arith.divf %broadcast_in_dim3A_40, %div3A_42 : vector<1x128xf32>
    %get3A_44 = arith.constant 0 : index
    %get3A_45 = arith.constant 0 : index
    %get3A_46 = vector.load %arg4[%get3A_44, %get3A_45] : memref<1x128xf32, #tpu.memory_space<vmem>>, vector<1x128xf32>
    %mul3A_47 = vector.broadcast %get3A_46 : vector<1x128xf32> to vector<10000x128xf32>
    %mul3A_48 = arith.mulf %mul3A_47, %sub3A_36 : vector<10000x128xf32>
    %add3A_49 = arith.constant 9.99999974E-6 : f32
    %add3A_50 = vector.broadcast %add3A_49 : f32 to vector<1x128xf32>
    %add3A_51 = arith.addf %div3A_43, %add3A_50 : vector<1x128xf32>
    %rsqrt3A_52 = math.rsqrt %add3A_51 : vector<1x128xf32>
    %mul3A_53 = vector.broadcast %rsqrt3A_52 : vector<1x128xf32> to vector<10000x128xf32>
    %mul3A_54 = arith.mulf %mul3A_48, %mul3A_53 : vector<10000x128xf32>
    %get3A_55 = arith.constant 0 : index
    %get3A_56 = arith.constant 0 : index
    %get3A_57 = vector.load %arg5[%get3A_55, %get3A_56] : memref<1x128xf32, #tpu.memory_space<vmem>>, vector<1x128xf32>
    %add3A_58 = vector.broadcast %get3A_57 : vector<1x128xf32> to vector<10000x128xf32>
    %add3A_59 = arith.addf %mul3A_54, %add3A_58 : vector<10000x128xf32>
    %max3A = arith.constant 0.000000e+00 : f32
    %max3A_60 = vector.broadcast %max3A : f32 to vector<10000x128xf32>
    %max3A_61 = arith.maximumf %add3A_59, %max3A_60 : vector<10000x128xf32>
    %iota3A = tpu.iota {dimensions = array<i32: 0>} : vector<32x10000xi32>
    %get3A_62 = arith.constant 0 : index
    %get3A_63 = arith.constant 0 : index
    %get3A_64 = vector.load %arg6[%get3A_62, %get3A_63] : memref<1x10000xi32, #tpu.memory_space<vmem>>, vector<1x10000xi32>
    %eq3A = vector.broadcast %get3A_64 : vector<1x10000xi32> to vector<32x10000xi32>
    %eq3A_65 = arith.cmpi eq, %iota3A, %eq3A : vector<32x10000xi32>
    %jit3A = arith.constant 1.000000e+00 : f32
    %jit3A_66 = arith.constant 0.000000e+00 : f32
    %broadcast_in_dim3A_67 = vector.broadcast %jit3A : f32 to vector<32x10000xf32>
    %broadcast_in_dim3A_68 = vector.broadcast %jit3A_66 : f32 to vector<32x10000xf32>
    %select_n3A = arith.select %eq3A_65, %broadcast_in_dim3A_67, %broadcast_in_dim3A_68 : vector<32x10000xi1>, vector<32x10000xf32>
    %dot_general3A = arith.constant dense<0.000000e+00> : vector<32x128xf32>
    %dot_general3A_69 = tpu.matmul %select_n3A, %max3A_61, %dot_general3A {dimension_numbers = #tpu.dot_dimension_numbers<[1], [0], [0], [1], [0, 0, 1, 1], [], []>, transpose_lhs_hint = false} : vector<32x10000xf32>, vector<10000x128xf32>, vector<32x128xf32> -> vector<32x128xf32>
    %get3A_70 = arith.constant 0 : index
    %get3A_71 = arith.constant 0 : index
    %get3A_72 = vector.load %arg7[%get3A_70, %get3A_71] : memref<128x64xf32, #tpu.memory_space<vmem>>, vector<128x64xf32>
    %dot_general3A_73 = arith.constant dense<0.000000e+00> : vector<32x64xf32>
    %dot_general3A_74 = tpu.matmul %dot_general3A_69, %get3A_72, %dot_general3A_73 {dimension_numbers = #tpu.dot_dimension_numbers<[1], [0], [0], [1], [0, 0, 1, 1], [], []>, transpose_lhs_hint = false} : vector<32x128xf32>, vector<128x64xf32>, vector<32x64xf32> -> vector<32x64xf32>
    %get3A_75 = arith.constant 0 : index
    %get3A_76 = arith.constant 0 : index
    %get3A_77 = vector.load %arg8[%get3A_75, %get3A_76] : memref<1x64xf32, #tpu.memory_space<vmem>>, vector<1x64xf32>
    %add3A_78 = vector.broadcast %get3A_77 : vector<1x64xf32> to vector<32x64xf32>
    %add3A_79 = arith.addf %dot_general3A_74, %add3A_78 : vector<32x64xf32>
    %get3A_80 = arith.constant 0 : index
    %get3A_81 = arith.constant 0 : index
    %get3A_82 = vector.load %arg9[%get3A_80, %get3A_81] : memref<64x10xf32, #tpu.memory_space<vmem>>, vector<64x10xf32>
    %dot_general3A_83 = arith.constant dense<0.000000e+00> : vector<32x10xf32>
    %dot_general3A_84 = tpu.matmul %add3A_79, %get3A_82, %dot_general3A_83 {dimension_numbers = #tpu.dot_dimension_numbers<[1], [0], [0], [1], [0, 0, 1, 1], [], []>, transpose_lhs_hint = false} : vector<32x64xf32>, vector<64x10xf32>, vector<32x10xf32> -> vector<32x10xf32>
    %get3A_85 = arith.constant 0 : index
    %get3A_86 = arith.constant 0 : index
    %get3A_87 = vector.load %arg10[%get3A_85, %get3A_86] : memref<1x10xf32, #tpu.memory_space<vmem>>, vector<1x10xf32>
    %add3A_88 = vector.broadcast %get3A_87 : vector<1x10xf32> to vector<32x10xf32>
    %add3A_89 = arith.addf %dot_general3A_84, %add3A_88 : vector<32x10xf32>
    %reduce_max3A = arith.constant dense<0xFF800000> : vector<32xf32>
    %reduce_max3A_90 = vector.multi_reduction <maximumf>, %add3A_89, %reduce_max3A [1] : vector<32x10xf32> to vector<32xf32>
    %broadcast_in_dim3A_91 = vector.shape_cast %reduce_max3A_90 : vector<32xf32> to vector<32x1xf32>
    %sub3A_92 = vector.broadcast %broadcast_in_dim3A_91 : vector<32x1xf32> to vector<32x10xf32>
    %sub3A_93 = arith.subf %add3A_89, %sub3A_92 : vector<32x10xf32>
    %exp3A = math.exp %sub3A_93 : vector<32x10xf32>
    %sub3A_94 = vector.broadcast %broadcast_in_dim3A_91 : vector<32x1xf32> to vector<32x10xf32>
    %sub3A_95 = arith.subf %add3A_89, %sub3A_94 : vector<32x10xf32>
    %reduce_sum3A_96 = arith.constant dense<0.000000e+00> : vector<32xf32>
    %reduce_sum3A_97 = vector.multi_reduction <add>, %exp3A, %reduce_sum3A_96 [1] : vector<32x10xf32> to vector<32xf32>
    %broadcast_in_dim3A_98 = vector.shape_cast %reduce_sum3A_97 : vector<32xf32> to vector<32x1xf32>
    %log3A = math.log %broadcast_in_dim3A_98 : vector<32x1xf32>
    %sub3A_99 = vector.broadcast %log3A : vector<32x1xf32> to vector<32x10xf32>
    %sub3A_100 = arith.subf %sub3A_95, %sub3A_99 : vector<32x10xf32>
    %swap3A = arith.constant 0 : index
    %swap3A_101 = arith.constant 0 : index
    %swap3A_102 = vector.load %arg11[%swap3A, %swap3A_101] : memref<32x10xf32, #tpu.memory_space<vmem>>, vector<32x10xf32>
    tpu.vector_store %arg11[%swap3A, %swap3A_101], %sub3A_100 {strides = array<i32>} : memref<32x10xf32, #tpu.memory_space<vmem>>, vector<32x10xf32>,
    return
  }
}

</mosaic_0001>

<sc_bundles>
// kernel: kernel.11.cloned.1.call-start
scs
__scs_entry_jumppad:
0x0: {  	(pc) =	sbr.rel $0x88, $3  }
0x1: {  	(tag) =	ssettag $0x0;
	lr =	simm.s32 $0x1  }
0x2: {  	[smem:$0x3F92] =	sst lr;
	_ =	strace $0xD0000000  }
0x3: {  	_ = 	snop  }
0x4: {  	_ = 	snop  }
0x5: {  	_ = 	snop  }
0x6: {  	_ = 	snop  }
0x7: {  	_ = 	snop  }
__scs_overlays_trampoline_lowered:
0x8: {  	[smem:$0x3FA1] =	sst s0  }
0x9: {  	[smem:$0x3FA2] =	sst s1  }
0xa: {  	[smem:$0x3FA3] =	sst s2  }
0xb: {  	[smem:$0x3FA4] =	sst s3  }
0xc: {  	[smem:$0x3FA5] =	sst s4  }
0xd: {  	[smem:$0x3FA6] =	sst s5  }
0xe: {  	[smem:$0x3FA7] =	sst s6  }
0xf: {  	[smem:$0x3FA8] =	sst s7  }
0x10: {  	[smem:$0x3FA9] =	sst s8  }
0x11: {  	[smem:$0x3FAA] =	sst s9;
	s0 =	simm.s32 @!p0 $0x0  }
0x12: {  	s1 =	sld [smem:$0x3F90];
	s0 =	simm.s32 @p0 $0x1  }
0x13: {  	[smem:$0x3FAB] =	sst s0;
	s0 =	simm.s32 @!p1 $0x0  }
0x14: {  	s2 =	sld [smem:$0x3F8F];
	s0 =	simm.s32 @p1 $0x1  }
0x15: {  	[smem:$0x3FAC] =	sst s0;
	s0 =	simm.s32 @!p2 $0x0  }
0x16: {  	s3 =	sld [smem:$0x3FDB];
	s0 =	simm.s32 @p2 $0x1  }
0x17: {  	s4 =	simm.s32 $0x1BF5;
	[smem:$0x3FAE] =	sst s0  }
0x18: {  	s0 =	sld [smem:$0x3F91];
	_ =	swait.ge [sflag:s4], $0x0  }
0x19: {  	s7 =	sld [smem:$0x3F92]  }
0x1a: {  	s8 =	sadd.s32 $0xFFFFE003, lr  }
0x1b: {  	s9 =	sadd.s32 $0xFFFFFEF7, lr;
	s5 =	simm.s32 $0xFFFFFFFF;
	p2 =	slt.u32 s8, $0xFFFFF086  }
0x1c: {  	p1 =	slt.u32 s9, $0xF7A;
	s5 =	simm.s32 @!p2 $0x0  }
0x1d: {  	s5 =	simm.s32 @p1 $0x1;
	p0 =	seq.s32 s7, s2  }
0x1e: {  	s7 =	smul.u32 @!p0 $0xF7A, s2;
	p2 =	seq.s32 @!p0 s5, $0x0  }
0x1f: {  	s9 =	smul.u32 $0xF7A, s1;
	s8 =	simm.s32 @!p0 $0x1BF5;
	p2 =	por !p2, p0  }
0x20: {  	[sflag:s8] =	ssyncset.s32 @!p0 $0xFFFFF086;
	s6 =	sadd.s32 @!p0 s3, s7;
	s7 =	simm.s32 @!p0 $0x108  }
0x21: {  	s3 =	sadd.s32 s3, s9;
	s6 =	sadd.s32 @!p0 $0x88, s6;
	s7 =	simm.s32 @p2 $0x1082  }
0x22: {  	[simem:s7], [sflag:s8] =	dma.local @!p0 [hbm:s6], $0xF7A  }
0x23: {  	s9 =	sor.u32 $0xD0000000, s2;
	s6 =	simm.s32 $0x108;
	_ =	swait.ge @!p0 [sflag:s8], $0x0  }
0x24: {  	s3 =	sadd.s32 $0x88, s3;
	s6 =	simm.s32 @!p1 $0x1082;
	[sflag:s4] =	ssyncset.s32 $0xFFFFF086  }
0x25: {  	[simem:s6], [sflag:s4] =	dma.local [hbm:s3], $0xF7A  }
0x26: {  	[smem:$0x3F92] =	sst s1;
	(tag) =	ssettag s2;
	_ =	strace s9  }
0x27: {  	s1 =	sld [smem:$0x3FA2]  }
0x28: {  	s2 =	sld [smem:$0x3FA3]  }
0x29: {  	s4 =	sld [smem:$0x3FA5]  }
0x2a: {  	p0 =	seq.s32 s5, $0x0;
	s5 =	sld [smem:$0x3FA6]  }
0x2b: {  	s6 =	sld [smem:$0x3FA7]  }
0x2c: {  	s7 =	sld [smem:$0x3FA8]  }
0x2d: {  	s3 =	simm.s32 $0x108;
	s8 =	sld [smem:$0x3FA9]  }
0x2e: {  	s3 =	simm.s32 @!p0 $0x1082;
	s9 =	sld [smem:$0x3FAA]  }
0x2f: {  	lr =	sadd.s32 s0, s3;
	s0 =	sld [smem:$0x3FA1]  }
0x30: {  	s3 =	sld [smem:$0x3FA4]  }
0x31: {  	[smem:$0x3FAD] =	sst s10  }
0x32: {  	s10 =	sld [smem:$0x3FAB];
	_ =	sdelay $0x3  }
0x33: {  	p0 =	seq.s32 s10, $0x1;
	s10 =	sld [smem:$0x3FAD];
	_ =	sdelay $0x3  }
0x34: {  	[smem:$0x3FAD] =	sst s10  }
0x35: {  	s10 =	sld [smem:$0x3FAC];
	_ =	sdelay $0x3  }
0x36: {  	p1 =	seq.s32 s10, $0x1;
	s10 =	sld [smem:$0x3FAD];
	_ =	sdelay $0x3  }
0x37: {  	[smem:$0x3FAD] =	sst s10  }
0x38: {  	s10 =	sld [smem:$0x3FAE]  }
0x39: {  	_ = 	snop;
	(pc) =	sbr.ind lr, $3  }
0x3a: {  	_ = 	snop  }
0x3b: {  	_ = 	snop  }
0x3c: {  	p2 =	seq.s32 s10, $0x1;
	s10 =	sld [smem:$0x3FAD]  }
0x3d: {  	_ =	shalt  }
0x3e: {  	_ =	shalt  }
0x3f: {  	_ =	shalt  }
0x40: {  	_ =	shalt  }
0x41: {  	_ =	shalt  }
0x42: {  	_ =	shalt  }
0x43: {  	_ =	shalt  }
0x44: {  	_ =	shalt  }
0x45: {  	_ =	shalt  }
0x46: {  	_ =	shalt  }
0x47: {  	_ =	shalt  }
0x48: {  	_ =	shalt  }
0x49: {  	_ =	shalt  }
0x4a: {  	_ =	shalt  }
0x4b: {  	_ =	shalt  }
0x4c: {  	_ =	shalt  }
0x4d: {  	_ =	shalt  }
0x4e: {  	_ =	shalt  }
0x4f: {  	_ =	shalt  }
0x50: {  	_ =	shalt  }
0x51: {  	_ =	shalt  }
0x52: {  	_ =	shalt  }
0x53: {  	_ =	shalt  }
0x54: {  	_ =	shalt  }
0x55: {  	_ =	shalt  }
0x56: {  	_ =	shalt  }
0x57: {  	_ =	shalt  }
0x58: {  	_ =	shalt  }
0x59: {  	_ =	shalt  }
0x5a: {  	_ =	shalt  }
0x5b: {  	_ =	shalt  }
0x5c: {  	_ =	shalt  }
0x5d: {  	_ =	shalt  }
0x5e: {  	_ =	shalt  }
0x5f: {  	_ =	shalt  }
0x60: {  	_ =	shalt  }
0x61: {  	_ =	shalt  }
0x62: {  	_ =	shalt  }
0x63: {  	_ =	shalt  }
0x64: {  	_ =	shalt  }
0x65: {  	_ =	shalt  }
0x66: {  	_ =	shalt  }
0x67: {  	_ =	shalt  }
0x68: {  	_ =	shalt  }
0x69: {  	_ =	shalt  }
0x6a: {  	_ =	shalt  }
0x6b: {  	_ =	shalt  }
0x6c: {  	_ =	shalt  }
0x6d: {  	_ =	shalt  }
0x6e: {  	_ =	shalt  }
0x6f: {  	_ =	shalt  }
0x70: {  	_ =	shalt  }
0x71: {  	_ =	shalt  }
0x72: {  	_ =	shalt  }
0x73: {  	_ =	shalt  }
0x74: {  	_ =	shalt  }
0x75: {  	_ =	shalt  }
0x76: {  	_ =	shalt  }
0x77: {  	_ =	shalt  }
0x78: {  	_ =	shalt  }
0x79: {  	_ =	shalt  }
0x7a: {  	_ =	shalt  }
0x7b: {  	_ =	shalt  }
0x7c: {  	_ =	shalt  }
0x7d: {  	_ =	shalt  }
0x7e: {  	_ =	shalt  }
0x7f: {  	_ =	shalt  }
0x80: {  	_ =	shalt  }
0x81: {  	_ =	shalt  }
0x82: {  	_ =	shalt  }
0x83: {  	_ =	shalt  }
0x84: {  	_ =	shalt  }
0x85: {  	_ =	shalt  }
0x86: {  	_ =	shalt  }
0x87: {  	_ =	shalt  }
.Lfunc_end0:
.L_simem_size_0:
called_computation.1_lowered:
.L_overlay_start_0:
0x88: {  	s2 =	sld [smem:$0x3FD9]  }
0x89: {  	s3 =	sld [smem:$0x3FFE];
	_ =	sdelay $0x1  }
0x8a: {  	s1 =	srdreg.scid  }
0x8b: {  	s0 =	sand.u32 $0x1, s1  }
0x8c: {  	s16 =	sshll.u32 s0, $0xA;
	s2 =	sadd.s32 s3, s2  }
0x8d: {  	s2 =	sadd.s32 s2, s16  }
0x8e: {  	[smem:$0x3FB9] =	sst s2  }
0x8f: {  	_ = 	snop  }
0x90: {  	(tm) =	ssettm $0x1  }
0x91: {  	s17 =	sld [smem:$0x3FFB];
	_ =	sdelay $0x3  }
0x92: {  	_ =	strace s17  }
0x93: {  	s2 =	sld [smem:$0x3FFC];
	_ =	sdelay $0x3  }
0x94: {  	_ =	strace s2  }
0x95: {  	s2 =	sld [smem:$0x3FFD];
	_ =	sdelay $0x3  }
0x96: {  	_ =	strace s2  }
0x97: {  	_ =	strace $0x8FFFFFFF  }
0x98: {  	s18 =	sld [smem:$0x3FDB];
	_ =	sdelay $0x1  }
0x99: {  	s19 =	simm.s32 $_scs_section_size  }
0x9a: {  	s4 =	simm.s32 $_size__tile_overlayer_lowered;
	s5 =	simm.s32 $_tile_overlayer_lowered  }
0x9b: {  	s22 =	simm.s32 $0x1BFF;
	s21 =	sshll.u32 s5, $0x1;
	s2 =	sadd.s32 s19, s18  }
0x9c: {  	s6 =	simm.s32 $0x0;
	s20 =	sshll.u32 s4, $0x1;
	s4 =	sadd.s32 s21, s2  }
0x9d: {  	[timem:s6], [sflag:s22] =	dma.local [hbm:s4], s20  }
0x9e: {  	_ =	swait.ge [sflag:s22], s20  }
0x9f: {  	s3 =	ssub.s32 $0x0, s20;
	[sflag:s22] =	ssyncset.done $0x0  }
0xa0: {  	[sflag:s22] =	ssyncadd.s32 s3;
	_ =	sdelay $0x1  }
0xa1: {  	s23 =	simm.s32 $0x1B8B  }
0xa2: {  	_ =	swait.ge [sflag:s23], $0x1  }
0xa3: {  	[sflag:s23] =	ssyncset.done $0x0  }
0xa4: {  	s25 =	simm.s32 $0x1B8E;
	s24 =	sld [smem:$0x3FFE];
	[sflag:s23] =	ssyncadd.s32 $0xFFFFFFFF  }
0xa5: {  	s26 =	simm.s32 $execute0_lowered;
	[smem:$0x3FD2] =	sst s25  }
0xa6: {  	s4 =	sshll.u32 s26, $0x1;
	_ =	strace $0x80000049;
	[dreg:$0x1] =	wrdreg $0xFFFFFFFF  }
0xa7: {  	s28 =	simm.s32 $_size_execute0_lowered;
	s2 =	sadd.s32 s2, s4;
	[dreg:$0x0] =	wrdreg $0x0  }
0xa8: {  	s4 =	sshll.u32 s28, $0x1;
	[dreg:$0x2] =	wrdreg s2  }
0xa9: {  	[dreg:$0x3] =	wrdreg s4  }
0xaa: {  	[dreg:$0x4] =	wrdreg $0xC0  }
0xab: {  	_ =	task [dreg:s6], $0x5FFFF  }
0xac: {  	[dreg:$0x1] =	wrdreg $0xFFFFFFFF  }
0xad: {  	[dreg:$0x0] =	wrdreg $0x60  }
0xae: {  	[dreg:$0x2] =	wrdreg s24  }
0xaf: {  	[dreg:$0x3] =	wrdreg $0x91000  }
0xb0: {  	[dreg:$0x4] =	wrdreg $0x9  }
0xb1: {  	_ =	task.clear_ibuf [dreg:s6], $0x5FFFF;
	_ =	strace $0x90000049  }
0xb2: {  	s29 =	simm.s32 $0x9;
	_ =	strace $0x8000004B  }
0xb3: {  	_ =	swait.ge [sflag:s29], $0x1  }
0xb4: {  	[sflag:s29] =	ssyncadd.s32 $0xFFFFFFFF  }
0xb5: {  	_ =	strace $0x9000004B  }
0xb6: {  	_ =	sfence  }
0xb7: {  	s30 =	sld [smem:$0x0];
	_ =	sdelay $0x2  }
0xb8: {  	s31 =	sshll.u32 s1, $0xD;
	s1 =	sshrl.u32 s1, $0x2  }
0xb9: {  	s3 =	sand.u32 $0x4000, s31;
	s1 =	sadd.s32 s1, s30  }
0xba: {  	s0 =	sor.u32 s3, s0;
	s1 =	sshll.u32 s1, $0x11  }
0xbb: {  	s0 =	sor.u32 s1, s0  }
0xbc: {  	s0 =	sadd.s32 $0x8F2B, s0  }
0xbd: {  	[sflag:s0] =	ssyncadd.remote.s32 $0x1  }
0xbe: {  	_ =	sfence.sel $0xFFFF  }
0xbf: {  	[dreg:$0x0] =	wrdreg $0xFFFFFFFF;
	(pc) =	sbr.abs _section_cstart, $3  }
0xc0: {  	[dreg:$0x1] =	wrdreg $0xFFFFFFFF  }
0xc1: {  	_ =	task.clear_ibuf [dreg:s6], $0x2FFFF;
	_ =	strace $0x9FFFFFFF  }
0xc2: {  	(tm) =	ssettm $0x7FFFFFFF  }
0xc3: {  	_ =	shalt  }
tec
execute0_lowered:
.L_overlay_start_1:
0x0: {  	(tag) =	ssettag $0x1  }
0x1: {  	s0 =	rddreg [dreg:$0x0]  }
0x2: {  	s2 =	rddreg [dreg:$0x1];
	s3 =	simm.s32 $0x0  }
0x3: {  	s1 =	srdreg.scid;
	s21 =	stileid.u32;
	s28 =	simm.s32 $0x3  }
0x4: {  	s29 =	simm.s32 $0x2;
	s30 =	simm.s32 $0x6900;
	s31 =	simm.s32 $0x4  }
0x5: {  	[smem:$0x7FF] =	sst s3;
	s1 =	sand.u32 $0x1, s1;
	s7 =	smul.u32 $0x13800, s21  }
0x6: {  	s4 =	sshll.u32 s21, $0x1;
	s8 =	sadd.s32 $0x3C00, s0;
	s12 =	smul.u32 $0x4E000, s21  }
0x7: {  	s14 =	sadd.s32 $0xBA600, s0;
	s15 =	sshll.u32 s21, $0x6;
	s17 =	sadd.s32 $0x138000, s2  }
0x8: {  	s25 =	smul.u32 $0x4E20, s21;
	p0 =	sne.s32 s21, $0xF;
	s21 =	simm.s32 $0x7  }
0x9: {  	_ =	strace $0x8000004A;
	s5 =	sor.u32 s1, s4;
	s4 =	sadd.s32 $0x93400, s0  }
0xa: {  	s26 =	ssub.s32 $0x2, s1;
	[dreg:$0x4] =	wrdreg s17;
	s22 =	smul.u32 $0x138800, s1  }
0xb: {  	s1 =	smul.u32 $0x2710, s1;
	s6 =	sshll.u32 s5, $0xB;
	s10 =	sshrl.u32 s7, $0x3  }
0xc: {  	s11 =	sshrl.u32 s26, $0x1;
	s13 =	sshrl.u32 s12, $0x2;
	s5 =	smul.u32 $0x2710, s5  }
0xd: {  	s9 =	sadd.s32 s6, s0;
	s10 =	sadd.s32 s10, s0;
	s11 =	ssub.s32 s26, s11  }
0xe: {  	s20 =	sadd.s32 s13, s2;
	s6 =	sor.u32 $0x1C07, s15;
	s0 =	sadd.s32 $0x44A00, s0  }
0xf: {  	s7 =	sadd.s32 s7, s22;
	s26 =	sadd.s32 s1, s25;
	s25 =	simm.s32 $0x4100  }
0x10: {  	s16 =	sadd.s32 $0x1DA00, s10;
	[dreg:$0x5] =	wrdreg s0;
	s18 =	sshrl.u32 s5, $0x3  }
0x11: {  	s19 =	sadd.s32 $0xDA00, s9;
	s0 =	sshrl.u32 s22, $0x3;
	s7 =	sshrl.u32 s7, $0x3  }
0x12: {  	s1 =	sadd.s32 $0x190, s26;
	s20 =	sshrl.u32 s20, $0x3;
	[dreg:$0x3] =	wrdreg s16  }
0x13: {  	s22 =	simm.s32 $0x4000;
	s5 =	simm.s32 $0x0;
	[dreg:$0x6] =	wrdreg s19  }
0x14: {  	s10 =	sadd.s32 s8, s18;
	s0 =	sadd.s32 s14, s0;
	s14 =	sadd.s32 s14, s7  }
0x15: {  	s16 =	smax.u32 s11, $0x1;
	s1 =	sshrl.u32 s1, $0x3;
	s23 =	sadd.s32 $0xA, s10  }
0x16: {  	s24 =	sadd.s32 $0x14, s10;
	s13 =	sadd.s32 $0x1E, s10;
	s15 =	sadd.s32 $0x27000, s0  }
0x17: {  	s0 =	sadd.s32 $0x140, s26;
	s17 =	sadd.s32 $0x4D8, s10;
	s18 =	sadd.s32 s1, s8  }
0x18: {  	s26 =	simm.s32 $0x4080;
	s1 =	simm.s32 $0x5;
	[dreg:$0x7] =	wrdreg s23  }
0x19: {  	[dreg:$0x8] =	wrdreg s24;
	s0 =	sshrl.u32 s0, $0x3;
	s23 =	simm.s32 $0x1  }
0x1a: {  	s24 =	simm.s32 $0x50;
	s19 =	sadd.s32 s0, s8;
	s0 =	simm.s32 $0x6  }
.LBB2_1:
0x1b: {  	s7 =	rddreg [dreg:$0x3]  }
0x1c: {  	[spmem:s20], [sflag:s6] =	dma.local [hbm:s7], $0x2700  }
0x1d: {  	_ =	swait.ge [sflag:s21], $0x2700  }
0x1e: {  	[sflag:s21] =	ssyncset.done $0x0;
	s7 =	rddreg [dreg:$0x4]  }
0x1f: {  	s8 =	rddreg [dreg:$0x5];
	[sflag:s21] =	ssyncadd.s32 $0xFFFFD900;
	s7 =	sshrl.u32 @!p0 s7, $0x3  }
0x20: {  	[spmem:s7], [sflag:s6] =	dma.local @!p0 [hbm:s8], $0x100  }
0x21: {  	s8 =	simm.s32 @!p0 $0x7  }
0x22: {  	_ =	swait.ge @!p0 [sflag:s8], $0x100  }
0x23: {  	[sflag:s8] =	ssyncset.done @!p0 $0x0  }
0x24: {  	s12 =	rddreg [dreg:$0x6];
	[sflag:s8] =	ssyncadd.s32 @!p0 $0xFFFFFF00  }
0x25: {  	[tilespmem:s3], [sflag:$0x7] =	stream.linear.gather [hbm4b:s12+s3], $0x3E80, $0x38;
	[tilespmem:$0x1C980] =	vst v63  }
0x26: {  	_ =	swait.ge [sflag:s21], $0x3E80  }
0x27: {  	[sflag:s21] =	ssyncset.done $0x0  }
0x28: {  	[sflag:s21] =	ssyncadd.s32 $0xFFFFC180  }
0x29: {  	[bflag:$0x0] =	sbarrier.arrive $0xFFFF  }
0x2a: {  	[tilespmem:s22], [sflag:$0x1] =	stream.linear.gather [hbm4b:s10+s3], $0x50, $0x38;
	[tilespmem:$0x1C980] =	vst v63  }
0x2b: {  	_ =	swait.ge [sflag:s23], $0x50  }
0x2c: {  	[sflag:s23] =	ssyncset.done $0x0  }
0x2d: {  	[sflag:s23] =	ssyncadd.s32 $0xFFFFFFB0  }
0x2e: {  	[tilespmem:s25], [sflag:$0x3] =	stream.indirect.gather [hbm4b:s4+s24], $0x80, s22, s24, $0xb8;
	[tilespmem:$0x1C980] =	vst v63  }
0x2f: {  	s9 =	rddreg [dreg:$0x7]  }
0x30: {  	[tilespmem:s26], [sflag:$0x2] =	stream.linear.gather [hbm4b:s9+s3], $0x50, $0x38;
	[tilespmem:$0x1C980] =	vst v63  }
0x31: {  	_ =	swait.ge [sflag:s28], $0x2800  }
0x32: {  	[sflag:s28] =	ssyncset.done $0x0  }
0x33: {  	[sflag:s28] =	ssyncadd.s32 $0xFFFFD800  }
0x34: {  	[spmem:s2] =	stream.indirect.scatter.add.f32 [tilespmem:s25], [sflag:$0x5], $0x80, s3, s24, $0xb8;
	[tilespmem:$0x1C980] =	vst v63  }
0x35: {  	_ =	swait.ge [sflag:s29], $0x50  }
0x36: {  	[sflag:s29] =	ssyncset.done $0x0  }
0x37: {  	[sflag:s29] =	ssyncadd.s32 $0xFFFFFFB0  }
0x38: {  	[tilespmem:s30], [sflag:$0x4] =	stream.indirect.gather [hbm4b:s4+s24], $0x80, s26, s24, $0xb8;
	[tilespmem:$0x1C980] =	vst v63  }
0x39: {  	s11 =	rddreg [dreg:$0x8]  }
0x3a: {  	[tilespmem:s22], [sflag:$0x1] =	stream.linear.gather [hbm4b:s11+s3], $0x50, $0x38;
	[tilespmem:$0x1C980] =	vst v63  }
0x3b: {  	_ =	swait.ge [sflag:s31], $0x2800  }
0x3c: {  	[sflag:s31] =	ssyncset.done $0x0  }
0x3d: {  	s12 =	simm.s32 $0x80;
	[sflag:s31] =	ssyncadd.s32 $0xFFFFD800  }
0x3e: {  	[spmem:s2] =	stream.indirect.scatter.add.f32 [tilespmem:s30], [sflag:$0x6], $0x80, s12, s24, $0xb8;
	[tilespmem:$0x1C980] =	vst v63  }
0x3f: {  	_ =	swait.ge [sflag:s23], $0x50  }
0x40: {  	[sflag:s23] =	ssyncset.done $0x0  }
0x41: {  	[sflag:s23] =	ssyncadd.s32 $0xFFFFFFB0  }
0x42: {  	_ =	swait.ge [sflag:s1], $0x2800  }
0x43: {  	[sflag:s1] =	ssyncset.done $0x0  }
0x44: {  	[sflag:s1] =	ssyncadd.s32 $0xFFFFD800  }
0x45: {  	[tilespmem:s25], [sflag:$0x3] =	stream.indirect.gather [hbm4b:s4+s24], $0x80, s22, s24, $0xb8;
	[tilespmem:$0x1C980] =	vst v63  }
0x46: {  	_ = 	snop  }
0x47: {  	[tilespmem:s26], [sflag:$0x2] =	stream.linear.gather [hbm4b:s13+s3], $0x50, $0x38;
	[tilespmem:$0x1C980] =	vst v63  }
0x48: {  	_ =	swait.ge [sflag:s28], $0x2800  }
0x49: {  	[sflag:s28] =	ssyncset.done $0x0  }
0x4a: {  	[sflag:s28] =	ssyncadd.s32 $0xFFFFD800  }
0x4b: {  	_ =	swait.ge [sflag:s0], $0x2800  }
0x4c: {  	[sflag:s0] =	ssyncset.done $0x0  }
0x4d: {  	s9 =	simm.s32 $0x100;
	[sflag:s0] =	ssyncadd.s32 $0xFFFFD800  }
0x4e: {  	[spmem:s2] =	stream.indirect.scatter.add.f32 [tilespmem:s25], [sflag:$0x5], $0x80, s9, s24, $0xb8;
	[tilespmem:$0x1C980] =	vst v63  }
0x4f: {  	_ =	swait.ge [sflag:s29], $0x50  }
0x50: {  	[sflag:s29] =	ssyncset.done $0x0  }
0x51: {  	[sflag:s29] =	ssyncadd.s32 $0xFFFFFFB0  }
0x52: {  	[tilespmem:s30], [sflag:$0x4] =	stream.indirect.gather [hbm4b:s4+s24], $0x80, s26, s24, $0xb8;
	[tilespmem:$0x1C980] =	vst v63  }
0x53: {  	s11 =	sadd.s32 $0x0, s19  }
0x54: {  	[tilespmem:s22], [sflag:$0x1] =	stream.linear.gather [hbm4b:s11+s3], $0x50, $0x38;
	[tilespmem:$0x1C980] =	vst v63  }
0x55: {  	_ =	swait.ge [sflag:s31], $0x2800  }
0x56: {  	[sflag:s31] =	ssyncset.done $0x0  }
0x57: {  	[sflag:s31] =	ssyncadd.s32 $0xFFFFD800  }
0x58: {  	_ =	swait.ge [sflag:s1], $0x2800  }
0x59: {  	[sflag:s1] =	ssyncset.done $0x0  }
0x5a: {  	s12 =	simm.s32 $0x180;
	[sflag:s1] =	ssyncadd.s32 $0xFFFFD800  }
0x5b: {  	[spmem:s2] =	stream.indirect.scatter.add.f32 [tilespmem:s30], [sflag:$0x6], $0x80, s12, s24, $0xb8;
	[tilespmem:$0x1C980] =	vst v63  }
0x5c: {  	_ =	swait.ge [sflag:s23], $0x50  }
0x5d: {  	s8 =	simm.s32 $0x14;
	[sflag:s23] =	ssyncset.done $0x0  }
0x5e: {  	s9 =	simm.s32 $0x280;
	s11 =	sadd.s32 $0x0, s18;
	[sflag:s23] =	ssyncadd.s32 $0xFFFFFFB0  }
0x5f: {  	[tilespmem:s25], [sflag:$0x3] =	stream.indirect.gather [hbm4b:s4+s24], $0x80, s22, s24, $0xb8;
	[tilespmem:$0x1C980] =	vst v63  }
.LBB2_2:
0x60: {  	[tilespmem:s26], [sflag:$0x2] =	stream.linear.gather [hbm4b:s11+s3], $0x50, $0x38;
	[tilespmem:$0x1C980] =	vst v63  }
0x61: {  	s11 =	smov.u32 s8  }
0x62: {  	p1 =	sne.s32 s8, $0x49C;
	s8 =	sadd.s32 $0x14, s8;
	_ =	swait.ge [sflag:s28], $0x2800  }
0x63: {  	[sflag:s28] =	ssyncset.done $0x0  }
0x64: {  	[sflag:s28] =	ssyncadd.s32 $0xFFFFD800  }
0x65: {  	_ =	swait.ge [sflag:s0], $0x2800  }
0x66: {  	[sflag:s0] =	ssyncset.done $0x0  }
0x67: {  	s12 =	sadd.s32 $0xFFFFFF80, s9;
	[sflag:s0] =	ssyncadd.s32 $0xFFFFD800  }
0x68: {  	[spmem:s2] =	stream.indirect.scatter.add.f32 [tilespmem:s25], [sflag:$0x5], $0x80, s12, s24, $0xb8;
	[tilespmem:$0x1C980] =	vst v63  }
0x69: {  	_ =	swait.ge [sflag:s29], $0x50  }
0x6a: {  	[sflag:s29] =	ssyncset.done $0x0  }
0x6b: {  	[sflag:s29] =	ssyncadd.s32 $0xFFFFFFB0  }
0x6c: {  	[tilespmem:s30], [sflag:$0x4] =	stream.indirect.gather [hbm4b:s4+s24], $0x80, s26, s24, $0xb8;
	[tilespmem:$0x1C980] =	vst v63  }
0x6d: {  	s12 =	sadd.s32 s11, s19  }
0x6e: {  	[tilespmem:s22], [sflag:$0x1] =	stream.linear.gather [hbm4b:s12+s3], $0x50, $0x38;
	[tilespmem:$0x1C980] =	vst v63  }
0x6f: {  	_ =	swait.ge [sflag:s31], $0x2800  }
0x70: {  	[sflag:s31] =	ssyncset.done $0x0  }
0x71: {  	[sflag:s31] =	ssyncadd.s32 $0xFFFFD800  }
0x72: {  	_ =	swait.ge [sflag:s1], $0x2800  }
0x73: {  	[sflag:s1] =	ssyncset.done $0x0  }
0x74: {  	[sflag:s1] =	ssyncadd.s32 $0xFFFFD800  }
0x75: {  	[spmem:s2] =	stream.indirect.scatter.add.f32 [tilespmem:s30], [sflag:$0x6], $0x80, s9, s24, $0xb8;
	[tilespmem:$0x1C980] =	vst v63  }
.Ltmp0:
0x76: {  	_ =	swait.ge [sflag:s23], $0x50;
	(pc) =	sbr.rel @p1 .LBB2_2-.Ltmp0, $4  }
0x77: {  	[sflag:s23] =	ssyncset.done $0x0  }
0x78: {  	[sflag:s23] =	ssyncadd.s32 $0xFFFFFFB0  }
0x79: {  	[tilespmem:s25], [sflag:$0x3] =	stream.indirect.gather [hbm4b:s4+s24], $0x80, s22, s24, $0xb8;
	[tilespmem:$0x1C980] =	vst v63  }
0x7a: {  	s11 =	sadd.s32 s11, s18;
	s9 =	sadd.s32 $0x100, s9  }
0x7b: {  	[tilespmem:s26], [sflag:$0x2] =	stream.linear.gather [hbm4b:s11+s3], $0x50, $0x38;
	[tilespmem:$0x1C980] =	vst v63  }
0x7c: {  	_ =	swait.ge [sflag:s28], $0x2800  }
0x7d: {  	[sflag:s28] =	ssyncset.done $0x0  }
0x7e: {  	[sflag:s28] =	ssyncadd.s32 $0xFFFFD800  }
0x7f: {  	_ =	swait.ge [sflag:s0], $0x2800  }
0x80: {  	[sflag:s0] =	ssyncset.done $0x0  }
0x81: {  	s8 =	simm.s32 $0x3D00;
	[sflag:s0] =	ssyncadd.s32 $0xFFFFD800  }
0x82: {  	[spmem:s2] =	stream.indirect.scatter.add.f32 [tilespmem:s25], [sflag:$0x5], $0x80, s8, s24, $0xb8;
	[tilespmem:$0x1C980] =	vst v63  }
0x83: {  	_ =	swait.ge [sflag:s29], $0x50  }
0x84: {  	[sflag:s29] =	ssyncset.done $0x0  }
0x85: {  	[sflag:s29] =	ssyncadd.s32 $0xFFFFFFB0  }
0x86: {  	[tilespmem:s30], [sflag:$0x4] =	stream.indirect.gather [hbm4b:s4+s24], $0x80, s26, s24, $0xb8;
	[tilespmem:$0x1C980] =	vst v63  }
0x87: {  	_ = 	snop  }
0x88: {  	[tilespmem:s22], [sflag:$0x1] =	stream.linear.gather [hbm4b:s17+s3], $0x50, $0x38;
	[tilespmem:$0x1C980] =	vst v63  }
0x89: {  	_ =	swait.ge [sflag:s31], $0x2800  }
0x8a: {  	[sflag:s31] =	ssyncset.done $0x0  }
0x8b: {  	[sflag:s31] =	ssyncadd.s32 $0xFFFFD800  }
0x8c: {  	_ =	swait.ge [sflag:s1], $0x2800  }
0x8d: {  	[sflag:s1] =	ssyncset.done $0x0  }
0x8e: {  	s11 =	simm.s32 $0x3D80;
	[sflag:s1] =	ssyncadd.s32 $0xFFFFD800  }
0x8f: {  	[spmem:s2] =	stream.indirect.scatter.add.f32 [tilespmem:s30], [sflag:$0x6], $0x80, s11, s24, $0xb8;
	[tilespmem:$0x1C980] =	vst v63  }
0x90: {  	_ =	swait.ge [sflag:s23], $0x50  }
0x91: {  	[sflag:s23] =	ssyncset.done $0x0  }
0x92: {  	[sflag:s23] =	ssyncadd.s32 $0xFFFFFFB0  }
0x93: {  	[tilespmem:s25], [sflag:$0x3] =	stream.indirect.gather [hbm4b:s4+s24], $0x80, s22, s24, $0xb8;
	[tilespmem:$0x1C980] =	vst v63  }
0x94: {  	_ =	swait.ge [sflag:s28], $0x2800  }
0x95: {  	[sflag:s28] =	ssyncset.done $0x0  }
0x96: {  	[sflag:s28] =	ssyncadd.s32 $0xFFFFD800  }
0x97: {  	_ =	swait.ge [sflag:s0], $0x2800  }
0x98: {  	[sflag:s0] =	ssyncset.done $0x0  }
0x99: {  	s12 =	simm.s32 $0x3E00;
	[sflag:s0] =	ssyncadd.s32 $0xFFFFD800  }
0x9a: {  	[spmem:s2] =	stream.indirect.scatter.add.f32 [tilespmem:s25], [sflag:$0x5], $0x80, s12, s24, $0xb8;
	[tilespmem:$0x1C980] =	vst v63  }
0x9b: {  	_ =	swait.ge [sflag:s1], $0x2800  }
0x9c: {  	[sflag:s1] =	ssyncset.done $0x0  }
0x9d: {  	[sflag:s1] =	ssyncadd.s32 $0xFFFFD800  }
0x9e: {  	[bflag:$0x0] =	sbarrier.arrive $0xFFFF  }
0x9f: {  	[hbm:s14], [sflag:s6] =	dma.local [spmem:s20], $0x2700  }
0xa0: {  	_ =	swait.ge [sflag:s21], $0x2700  }
0xa1: {  	s5 =	sadd.s32 $0x1, s5;
	[sflag:s21] =	ssyncset.done $0x0  }
0xa2: {  	p1 =	sne.s32 s5, s16;
	[sflag:s21] =	ssyncadd.s32 $0xFFFFD900  }
0xa3: {  	[hbm:s15], [sflag:s6] =	dma.local @!p0 [spmem:s7], $0x100  }
.Ltmp1:
0xa4: {  	_ = 	snop;
	(pc) =	sbr.rel @p1 .LBB2_1-.Ltmp1, $4  }
0xa5: {  	s7 =	simm.s32 @!p0 $0x7  }
0xa6: {  	_ =	swait.ge @!p0 [sflag:s7], $0x100  }
0xa7: {  	[sflag:s7] =	ssyncset.done @!p0 $0x0  }
0xa8: {  	[sflag:s7] =	ssyncadd.s32 @!p0 $0xFFFFFF00  }
0xa9: {  	_ =	sfence.sel $0x180000  }
0xaa: {  	[bflag:$0x0] =	sbarrier.arrive $0xFFFF  }
0xab: {  	_ =	strace $0x9000004A  }
0xac: {  	s0 =	stileid.u32;
	[bflag:$0x2] =	sbarrier.arrive $0xFFFF  }
0xad: {  	p0 =	sne.s32 s0, $0x0;
	s0 =	rddreg [dreg:$0x2]  }
0xae: {  	s0 =	sadd.s32 @!p0 $0x100000, s0  }
0xaf: {  	[sflag:s0] =	ssyncadd.tile.s32 @!p0 $0x1;
	_ =	shalt  }
.Lfunc_end2:
_tile_overlayer_lowered:
.L_overlay_start_2:
0xb0: {  	(tag) =	ssettag $0x2  }
0xb1: {  	s0 =	rddreg [dreg:$0x0];
	s2 =	stileid.u32  }
0xb2: {  	s1 =	rddreg [dreg:$0x1];
	p0 =	sne.s32 s2, $0x0  }
0xb3: {  	s3 =	rddreg [dreg:$0x2];
	[bflag:$0x3] =	sbarrier.arrive $0xFFFF;
	s2 =	simm.s32 @!p0 $0x1C07  }
0xb4: {  	[timem:s3], [sflag:s2] =	dma.local @!p0 [hbm:s0], s1  }
0xb5: {  	s0 =	simm.s32 @!p0 $0x7  }
0xb6: {  	_ =	swait.ge @!p0 [sflag:s0], s1  }
0xb7: {  	s1 =	ssub.s32 @!p0 $0x0, s1;
	[sflag:s0] =	ssyncset.done @!p0 $0x0  }
0xb8: {  	[sflag:s0] =	ssyncadd.s32 @!p0 s1  }
0xb9: {  	[bflag:$0x3] =	sbarrier.arrive $0xFFFF  }
0xba: {  	_ =	shalt  }

// kernel: kernel.14.cloned.1.call-start
scs
__scs_entry_jumppad:
0x0: {  	(pc) =	sbr.rel $0x88, $3  }
0x1: {  	(tag) =	ssettag $0x0;
	lr =	simm.s32 $0x1  }
0x2: {  	[smem:$0x3F92] =	sst lr;
	_ =	strace $0xD0000000  }
0x3: {  	_ = 	snop  }
0x4: {  	_ = 	snop  }
0x5: {  	_ = 	snop  }
0x6: {  	_ = 	snop  }
0x7: {  	_ = 	snop  }
__scs_overlays_trampoline_lowered:
0x8: {  	[smem:$0x3FA1] =	sst s0  }
0x9: {  	[smem:$0x3FA2] =	sst s1  }
0xa: {  	[smem:$0x3FA3] =	sst s2  }
0xb: {  	[smem:$0x3FA4] =	sst s3  }
0xc: {  	[smem:$0x3FA5] =	sst s4  }
0xd: {  	[smem:$0x3FA6] =	sst s5  }
0xe: {  	[smem:$0x3FA7] =	sst s6  }
0xf: {  	[smem:$0x3FA8] =	sst s7  }
0x10: {  	[smem:$0x3FA9] =	sst s8  }
0x11: {  	[smem:$0x3FAA] =	sst s9;
	s0 =	simm.s32 @!p0 $0x0  }
0x12: {  	s1 =	sld [smem:$0x3F90];
	s0 =	simm.s32 @p0 $0x1  }
0x13: {  	[smem:$0x3FAB] =	sst s0;
	s0 =	simm.s32 @!p1 $0x0  }
0x14: {  	s2 =	sld [smem:$0x3F8F];
	s0 =	simm.s32 @p1 $0x1  }
0x15: {  	[smem:$0x3FAC] =	sst s0;
	s0 =	simm.s32 @!p2 $0x0  }
0x16: {  	s3 =	sld [smem:$0x3FDB];
	s0 =	simm.s32 @p2 $0x1  }
0x17: {  	s4 =	simm.s32 $0x1BF5;
	[smem:$0x3FAE] =	sst s0  }
0x18: {  	s0 =	sld [smem:$0x3F91];
	_ =	swait.ge [sflag:s4], $0x0  }
0x19: {  	s7 =	sld [smem:$0x3F92]  }
0x1a: {  	s8 =	sadd.s32 $0xFFFFE003, lr  }
0x1b: {  	s9 =	sadd.s32 $0xFFFFFEF7, lr;
	s5 =	simm.s32 $0xFFFFFFFF;
	p2 =	slt.u32 s8, $0xFFFFF086  }
0x1c: {  	p1 =	slt.u32 s9, $0xF7A;
	s5 =	simm.s32 @!p2 $0x0  }
0x1d: {  	s5 =	simm.s32 @p1 $0x1;
	p0 =	seq.s32 s7, s2  }
0x1e: {  	s7 =	smul.u32 @!p0 $0xF7A, s2;
	p2 =	seq.s32 @!p0 s5, $0x0  }
0x1f: {  	s9 =	smul.u32 $0xF7A, s1;
	s8 =	simm.s32 @!p0 $0x1BF5;
	p2 =	por !p2, p0  }
0x20: {  	[sflag:s8] =	ssyncset.s32 @!p0 $0xFFFFF086;
	s6 =	sadd.s32 @!p0 s3, s7;
	s7 =	simm.s32 @!p0 $0x108  }
0x21: {  	s3 =	sadd.s32 s3, s9;
	s6 =	sadd.s32 @!p0 $0x88, s6;
	s7 =	simm.s32 @p2 $0x1082  }
0x22: {  	[simem:s7], [sflag:s8] =	dma.local @!p0 [hbm:s6], $0xF7A  }
0x23: {  	s9 =	sor.u32 $0xD0000000, s2;
	s6 =	simm.s32 $0x108;
	_ =	swait.ge @!p0 [sflag:s8], $0x0  }
0x24: {  	s3 =	sadd.s32 $0x88, s3;
	s6 =	simm.s32 @!p1 $0x1082;
	[sflag:s4] =	ssyncset.s32 $0xFFFFF086  }
0x25: {  	[simem:s6], [sflag:s4] =	dma.local [hbm:s3], $0xF7A  }
0x26: {  	[smem:$0x3F92] =	sst s1;
	(tag) =	ssettag s2;
	_ =	strace s9  }
0x27: {  	s1 =	sld [smem:$0x3FA2]  }
0x28: {  	s2 =	sld [smem:$0x3FA3]  }
0x29: {  	s4 =	sld [smem:$0x3FA5]  }
0x2a: {  	p0 =	seq.s32 s5, $0x0;
	s5 =	sld [smem:$0x3FA6]  }
0x2b: {  	s6 =	sld [smem:$0x3FA7]  }
0x2c: {  	s7 =	sld [smem:$0x3FA8]  }
0x2d: {  	s3 =	simm.s32 $0x108;
	s8 =	sld [smem:$0x3FA9]  }
0x2e: {  	s3 =	simm.s32 @!p0 $0x1082;
	s9 =	sld [smem:$0x3FAA]  }
0x2f: {  	lr =	sadd.s32 s0, s3;
	s0 =	sld [smem:$0x3FA1]  }
0x30: {  	s3 =	sld [smem:$0x3FA4]  }
0x31: {  	[smem:$0x3FAD] =	sst s10  }
0x32: {  	s10 =	sld [smem:$0x3FAB];
	_ =	sdelay $0x3  }
0x33: {  	p0 =	seq.s32 s10, $0x1;
	s10 =	sld [smem:$0x3FAD];
	_ =	sdelay $0x3  }
0x34: {  	[smem:$0x3FAD] =	sst s10  }
0x35: {  	s10 =	sld [smem:$0x3FAC];
	_ =	sdelay $0x3  }
0x36: {  	p1 =	seq.s32 s10, $0x1;
	s10 =	sld [smem:$0x3FAD];
	_ =	sdelay $0x3  }
0x37: {  	[smem:$0x3FAD] =	sst s10  }
0x38: {  	s10 =	sld [smem:$0x3FAE]  }
0x39: {  	_ = 	snop;
	(pc) =	sbr.ind lr, $3  }
0x3a: {  	_ = 	snop  }
0x3b: {  	_ = 	snop  }
0x3c: {  	p2 =	seq.s32 s10, $0x1;
	s10 =	sld [smem:$0x3FAD]  }
0x3d: {  	_ =	shalt  }
0x3e: {  	_ =	shalt  }
0x3f: {  	_ =	shalt  }
0x40: {  	_ =	shalt  }
0x41: {  	_ =	shalt  }
0x42: {  	_ =	shalt  }
0x43: {  	_ =	shalt  }
0x44: {  	_ =	shalt  }
0x45: {  	_ =	shalt  }
0x46: {  	_ =	shalt  }
0x47: {  	_ =	shalt  }
0x48: {  	_ =	shalt  }
0x49: {  	_ =	shalt  }
0x4a: {  	_ =	shalt  }
0x4b: {  	_ =	shalt  }
0x4c: {  	_ =	shalt  }
0x4d: {  	_ =	shalt  }
0x4e: {  	_ =	shalt  }
0x4f: {  	_ =	shalt  }
0x50: {  	_ =	shalt  }
0x51: {  	_ =	shalt  }
0x52: {  	_ =	shalt  }
0x53: {  	_ =	shalt  }
0x54: {  	_ =	shalt  }
0x55: {  	_ =	shalt  }
0x56: {  	_ =	shalt  }
0x57: {  	_ =	shalt  }
0x58: {  	_ =	shalt  }
0x59: {  	_ =	shalt  }
0x5a: {  	_ =	shalt  }
0x5b: {  	_ =	shalt  }
0x5c: {  	_ =	shalt  }
0x5d: {  	_ =	shalt  }
0x5e: {  	_ =	shalt  }
0x5f: {  	_ =	shalt  }
0x60: {  	_ =	shalt  }
0x61: {  	_ =	shalt  }
0x62: {  	_ =	shalt  }
0x63: {  	_ =	shalt  }
0x64: {  	_ =	shalt  }
0x65: {  	_ =	shalt  }
0x66: {  	_ =	shalt  }
0x67: {  	_ =	shalt  }
0x68: {  	_ =	shalt  }
0x69: {  	_ =	shalt  }
0x6a: {  	_ =	shalt  }
0x6b: {  	_ =	shalt  }
0x6c: {  	_ =	shalt  }
0x6d: {  	_ =	shalt  }
0x6e: {  	_ =	shalt  }
0x6f: {  	_ =	shalt  }
0x70: {  	_ =	shalt  }
0x71: {  	_ =	shalt  }
0x72: {  	_ =	shalt  }
0x73: {  	_ =	shalt  }
0x74: {  	_ =	shalt  }
0x75: {  	_ =	shalt  }
0x76: {  	_ =	shalt  }
0x77: {  	_ =	shalt  }
0x78: {  	_ =	shalt  }
0x79: {  	_ =	shalt  }
0x7a: {  	_ =	shalt  }
0x7b: {  	_ =	shalt  }
0x7c: {  	_ =	shalt  }
0x7d: {  	_ =	shalt  }
0x7e: {  	_ =	shalt  }
0x7f: {  	_ =	shalt  }
0x80: {  	_ =	shalt  }
0x81: {  	_ =	shalt  }
0x82: {  	_ =	shalt  }
0x83: {  	_ =	shalt  }
0x84: {  	_ =	shalt  }
0x85: {  	_ =	shalt  }
0x86: {  	_ =	shalt  }
0x87: {  	_ =	shalt  }
.Lfunc_end0:
.L_simem_size_0:
called_computation.2_lowered:
.L_overlay_start_0:
0x88: {  	s2 =	sld [smem:$0x3FD9]  }
0x89: {  	s3 =	sld [smem:$0x3FFE];
	_ =	sdelay $0x1  }
0x8a: {  	s1 =	srdreg.scid  }
0x8b: {  	s0 =	sand.u32 $0x1, s1  }
0x8c: {  	s16 =	sshll.u32 s0, $0xA;
	s2 =	sadd.s32 s3, s2  }
0x8d: {  	s2 =	sadd.s32 s2, s16  }
0x8e: {  	[smem:$0x3FB9] =	sst s2  }
0x8f: {  	_ = 	snop  }
0x90: {  	(tm) =	ssettm $0x1  }
0x91: {  	s17 =	sld [smem:$0x3FFB];
	_ =	sdelay $0x3  }
0x92: {  	_ =	strace s17  }
0x93: {  	s2 =	sld [smem:$0x3FFC];
	_ =	sdelay $0x3  }
0x94: {  	_ =	strace s2  }
0x95: {  	s2 =	sld [smem:$0x3FFD];
	_ =	sdelay $0x3  }
0x96: {  	_ =	strace s2  }
0x97: {  	_ =	strace $0x8FFFFFFF  }
0x98: {  	s18 =	sld [smem:$0x3FDB];
	_ =	sdelay $0x1  }
0x99: {  	s19 =	simm.s32 $_scs_section_size  }
0x9a: {  	s4 =	simm.s32 $_size__tile_overlayer_lowered;
	s5 =	simm.s32 $_tile_overlayer_lowered  }
0x9b: {  	s22 =	simm.s32 $0x1BFF;
	s21 =	sshll.u32 s5, $0x1;
	s2 =	sadd.s32 s19, s18  }
0x9c: {  	s6 =	simm.s32 $0x0;
	s20 =	sshll.u32 s4, $0x1;
	s4 =	sadd.s32 s21, s2  }
0x9d: {  	[timem:s6], [sflag:s22] =	dma.local [hbm:s4], s20  }
0x9e: {  	_ =	swait.ge [sflag:s22], s20  }
0x9f: {  	s3 =	ssub.s32 $0x0, s20;
	[sflag:s22] =	ssyncset.done $0x0  }
0xa0: {  	[sflag:s22] =	ssyncadd.s32 s3;
	_ =	sdelay $0x1  }
0xa1: {  	s23 =	simm.s32 $0x1B8B  }
0xa2: {  	_ =	swait.ge [sflag:s23], $0x1  }
0xa3: {  	[sflag:s23] =	ssyncset.done $0x0  }
0xa4: {  	s25 =	simm.s32 $0x1B8E;
	s24 =	sld [smem:$0x3FFE];
	[sflag:s23] =	ssyncadd.s32 $0xFFFFFFFF  }
0xa5: {  	s26 =	simm.s32 $execute0_lowered;
	[smem:$0x3FD2] =	sst s25  }
0xa6: {  	s4 =	sshll.u32 s26, $0x1;
	_ =	strace $0x8000004C;
	[dreg:$0x1] =	wrdreg $0xFFFFFFFF  }
0xa7: {  	s28 =	simm.s32 $_size_execute0_lowered;
	s2 =	sadd.s32 s2, s4;
	[dreg:$0x0] =	wrdreg $0x0  }
0xa8: {  	s4 =	sshll.u32 s28, $0x1;
	[dreg:$0x2] =	wrdreg s2  }
0xa9: {  	[dreg:$0x3] =	wrdreg s4  }
0xaa: {  	[dreg:$0x4] =	wrdreg $0xC0  }
0xab: {  	_ =	task [dreg:s6], $0x5FFFF  }
0xac: {  	[dreg:$0x1] =	wrdreg $0xFFFFFFFF  }
0xad: {  	[dreg:$0x0] =	wrdreg $0x60  }
0xae: {  	[dreg:$0x2] =	wrdreg s24  }
0xaf: {  	[dreg:$0x3] =	wrdreg $0x91000  }
0xb0: {  	[dreg:$0x4] =	wrdreg $0x9  }
0xb1: {  	_ =	task.clear_ibuf [dreg:s6], $0x5FFFF;
	_ =	strace $0x9000004C  }
0xb2: {  	s29 =	simm.s32 $0x9;
	_ =	strace $0x8000004E  }
0xb3: {  	_ =	swait.ge [sflag:s29], $0x1  }
0xb4: {  	[sflag:s29] =	ssyncadd.s32 $0xFFFFFFFF  }
0xb5: {  	_ =	strace $0x9000004E  }
0xb6: {  	_ =	sfence  }
0xb7: {  	s30 =	sld [smem:$0x0];
	_ =	sdelay $0x2  }
0xb8: {  	s31 =	sshll.u32 s1, $0xD;
	s1 =	sshrl.u32 s1, $0x2  }
0xb9: {  	s3 =	sand.u32 $0x4000, s31;
	s1 =	sadd.s32 s1, s30  }
0xba: {  	s0 =	sor.u32 s3, s0;
	s1 =	sshll.u32 s1, $0x11  }
0xbb: {  	s0 =	sor.u32 s1, s0  }
0xbc: {  	s0 =	sadd.s32 $0x8F2B, s0  }
0xbd: {  	[sflag:s0] =	ssyncadd.remote.s32 $0x1  }
0xbe: {  	_ =	sfence.sel $0xFFFF  }
0xbf: {  	[dreg:$0x0] =	wrdreg $0xFFFFFFFF;
	(pc) =	sbr.abs _section_cstart, $3  }
0xc0: {  	[dreg:$0x1] =	wrdreg $0xFFFFFFFF  }
0xc1: {  	_ =	task.clear_ibuf [dreg:s6], $0x2FFFF;
	_ =	strace $0x9FFFFFFF  }
0xc2: {  	(tm) =	ssettm $0x7FFFFFFF  }
0xc3: {  	_ =	shalt  }
tec
execute0_lowered:
.L_overlay_start_1:
0x0: {  	(tag) =	ssettag $0x1  }
0x1: {  	s0 =	rddreg [dreg:$0x0]  }
0x2: {  	s2 =	rddreg [dreg:$0x1];
	s3 =	simm.s32 $0x0  }
0x3: {  	s1 =	srdreg.scid;
	s21 =	stileid.u32;
	s28 =	simm.s32 $0x3  }
0x4: {  	s29 =	simm.s32 $0x2;
	s30 =	simm.s32 $0x6900;
	s31 =	simm.s32 $0x4  }
0x5: {  	[smem:$0x7FF] =	sst s3;
	s1 =	sand.u32 $0x1, s1;
	s7 =	smul.u32 $0x13800, s21  }
0x6: {  	s4 =	sshll.u32 s21, $0x1;
	s8 =	sadd.s32 $0x3C00, s0;
	s12 =	smul.u32 $0x4E000, s21  }
0x7: {  	s14 =	sadd.s32 $0xBA600, s0;
	s15 =	sshll.u32 s21, $0x6;
	s17 =	sadd.s32 $0x138000, s2  }
0x8: {  	s25 =	smul.u32 $0x4E20, s21;
	p0 =	sne.s32 s21, $0xF;
	s21 =	simm.s32 $0x7  }
0x9: {  	_ =	strace $0x8000004D;
	s5 =	sor.u32 s1, s4;
	s4 =	sadd.s32 $0x93400, s0  }
0xa: {  	s26 =	ssub.s32 $0x2, s1;
	[dreg:$0x4] =	wrdreg s17;
	s22 =	smul.u32 $0x138800, s1  }
0xb: {  	s1 =	smul.u32 $0x2710, s1;
	s6 =	sshll.u32 s5, $0xB;
	s10 =	sshrl.u32 s7, $0x3  }
0xc: {  	s11 =	sshrl.u32 s26, $0x1;
	s13 =	sshrl.u32 s12, $0x2;
	s5 =	smul.u32 $0x2710, s5  }
0xd: {  	s9 =	sadd.s32 s6, s0;
	s10 =	sadd.s32 s10, s0;
	s11 =	ssub.s32 s26, s11  }
0xe: {  	s20 =	sadd.s32 s13, s2;
	s6 =	sor.u32 $0x1C07, s15;
	s0 =	sadd.s32 $0x44A00, s0  }
0xf: {  	s7 =	sadd.s32 s7, s22;
	s26 =	sadd.s32 s1, s25;
	s25 =	simm.s32 $0x4100  }
0x10: {  	s16 =	sadd.s32 $0x1DA00, s10;
	[dreg:$0x5] =	wrdreg s0;
	s18 =	sshrl.u32 s5, $0x3  }
0x11: {  	s19 =	sadd.s32 $0xDA00, s9;
	s0 =	sshrl.u32 s22, $0x3;
	s7 =	sshrl.u32 s7, $0x3  }
0x12: {  	s1 =	sadd.s32 $0x190, s26;
	s20 =	sshrl.u32 s20, $0x3;
	[dreg:$0x3] =	wrdreg s16  }
0x13: {  	s22 =	simm.s32 $0x4000;
	s5 =	simm.s32 $0x0;
	[dreg:$0x6] =	wrdreg s19  }
0x14: {  	s10 =	sadd.s32 s8, s18;
	s0 =	sadd.s32 s14, s0;
	s14 =	sadd.s32 s14, s7  }
0x15: {  	s16 =	smax.u32 s11, $0x1;
	s1 =	sshrl.u32 s1, $0x3;
	s23 =	sadd.s32 $0xA, s10  }
0x16: {  	s24 =	sadd.s32 $0x14, s10;
	s13 =	sadd.s32 $0x1E, s10;
	s15 =	sadd.s32 $0x27000, s0  }
0x17: {  	s0 =	sadd.s32 $0x140, s26;
	s17 =	sadd.s32 $0x4D8, s10;
	s18 =	sadd.s32 s1, s8  }
0x18: {  	s26 =	simm.s32 $0x4080;
	s1 =	simm.s32 $0x5;
	[dreg:$0x7] =	wrdreg s23  }
0x19: {  	[dreg:$0x8] =	wrdreg s24;
	s0 =	sshrl.u32 s0, $0x3;
	s23 =	simm.s32 $0x1  }
0x1a: {  	s24 =	simm.s32 $0x50;
	s19 =	sadd.s32 s0, s8;
	s0 =	simm.s32 $0x6  }
.LBB2_1:
0x1b: {  	s7 =	rddreg [dreg:$0x3]  }
0x1c: {  	[spmem:s20], [sflag:s6] =	dma.local [hbm:s7], $0x2700  }
0x1d: {  	_ =	swait.ge [sflag:s21], $0x2700  }
0x1e: {  	[sflag:s21] =	ssyncset.done $0x0;
	s7 =	rddreg [dreg:$0x4]  }
0x1f: {  	s8 =	rddreg [dreg:$0x5];
	[sflag:s21] =	ssyncadd.s32 $0xFFFFD900;
	s7 =	sshrl.u32 @!p0 s7, $0x3  }
0x20: {  	[spmem:s7], [sflag:s6] =	dma.local @!p0 [hbm:s8], $0x100  }
0x21: {  	s8 =	simm.s32 @!p0 $0x7  }
0x22: {  	_ =	swait.ge @!p0 [sflag:s8], $0x100  }
0x23: {  	[sflag:s8] =	ssyncset.done @!p0 $0x0  }
0x24: {  	s12 =	rddreg [dreg:$0x6];
	[sflag:s8] =	ssyncadd.s32 @!p0 $0xFFFFFF00  }
0x25: {  	[tilespmem:s3], [sflag:$0x7] =	stream.linear.gather [hbm4b:s12+s3], $0x3E80, $0x38;
	[tilespmem:$0x1C980] =	vst v63  }
0x26: {  	_ =	swait.ge [sflag:s21], $0x3E80  }
0x27: {  	[sflag:s21] =	ssyncset.done $0x0  }
0x28: {  	[sflag:s21] =	ssyncadd.s32 $0xFFFFC180  }
0x29: {  	[bflag:$0x0] =	sbarrier.arrive $0xFFFF  }
0x2a: {  	[tilespmem:s22], [sflag:$0x1] =	stream.linear.gather [hbm4b:s10+s3], $0x50, $0x38;
	[tilespmem:$0x1C980] =	vst v63  }
0x2b: {  	_ =	swait.ge [sflag:s23], $0x50  }
0x2c: {  	[sflag:s23] =	ssyncset.done $0x0  }
0x2d: {  	[sflag:s23] =	ssyncadd.s32 $0xFFFFFFB0  }
0x2e: {  	[tilespmem:s25], [sflag:$0x3] =	stream.indirect.gather [hbm4b:s4+s24], $0x80, s22, s24, $0xb8;
	[tilespmem:$0x1C980] =	vst v63  }
0x2f: {  	s9 =	rddreg [dreg:$0x7]  }
0x30: {  	[tilespmem:s26], [sflag:$0x2] =	stream.linear.gather [hbm4b:s9+s3], $0x50, $0x38;
	[tilespmem:$0x1C980] =	vst v63  }
0x31: {  	_ =	swait.ge [sflag:s28], $0x2800  }
0x32: {  	[sflag:s28] =	ssyncset.done $0x0  }
0x33: {  	[sflag:s28] =	ssyncadd.s32 $0xFFFFD800  }
0x34: {  	[spmem:s2] =	stream.indirect.scatter.add.f32 [tilespmem:s25], [sflag:$0x5], $0x80, s3, s24, $0xb8;
	[tilespmem:$0x1C980] =	vst v63  }
0x35: {  	_ =	swait.ge [sflag:s29], $0x50  }
0x36: {  	[sflag:s29] =	ssyncset.done $0x0  }
0x37: {  	[sflag:s29] =	ssyncadd.s32 $0xFFFFFFB0  }
0x38: {  	[tilespmem:s30], [sflag:$0x4] =	stream.indirect.gather [hbm4b:s4+s24], $0x80, s26, s24, $0xb8;
	[tilespmem:$0x1C980] =	vst v63  }
0x39: {  	s11 =	rddreg [dreg:$0x8]  }
0x3a: {  	[tilespmem:s22], [sflag:$0x1] =	stream.linear.gather [hbm4b:s11+s3], $0x50, $0x38;
	[tilespmem:$0x1C980] =	vst v63  }
0x3b: {  	_ =	swait.ge [sflag:s31], $0x2800  }
0x3c: {  	[sflag:s31] =	ssyncset.done $0x0  }
0x3d: {  	s12 =	simm.s32 $0x80;
	[sflag:s31] =	ssyncadd.s32 $0xFFFFD800  }
0x3e: {  	[spmem:s2] =	stream.indirect.scatter.add.f32 [tilespmem:s30], [sflag:$0x6], $0x80, s12, s24, $0xb8;
	[tilespmem:$0x1C980] =	vst v63  }
0x3f: {  	_ =	swait.ge [sflag:s23], $0x50  }
0x40: {  	[sflag:s23] =	ssyncset.done $0x0  }
0x41: {  	[sflag:s23] =	ssyncadd.s32 $0xFFFFFFB0  }
0x42: {  	_ =	swait.ge [sflag:s1], $0x2800  }
0x43: {  	[sflag:s1] =	ssyncset.done $0x0  }
0x44: {  	[sflag:s1] =	ssyncadd.s32 $0xFFFFD800  }
0x45: {  	[tilespmem:s25], [sflag:$0x3] =	stream.indirect.gather [hbm4b:s4+s24], $0x80, s22, s24, $0xb8;
	[tilespmem:$0x1C980] =	vst v63  }
0x46: {  	_ = 	snop  }
0x47: {  	[tilespmem:s26], [sflag:$0x2] =	stream.linear.gather [hbm4b:s13+s3], $0x50, $0x38;
	[tilespmem:$0x1C980] =	vst v63  }
0x48: {  	_ =	swait.ge [sflag:s28], $0x2800  }
0x49: {  	[sflag:s28] =	ssyncset.done $0x0  }
0x4a: {  	[sflag:s28] =	ssyncadd.s32 $0xFFFFD800  }
0x4b: {  	_ =	swait.ge [sflag:s0], $0x2800  }
0x4c: {  	[sflag:s0] =	ssyncset.done $0x0  }
0x4d: {  	s9 =	simm.s32 $0x100;
	[sflag:s0] =	ssyncadd.s32 $0xFFFFD800  }
0x4e: {  	[spmem:s2] =	stream.indirect.scatter.add.f32 [tilespmem:s25], [sflag:$0x5], $0x80, s9, s24, $0xb8;
	[tilespmem:$0x1C980] =	vst v63  }
0x4f: {  	_ =	swait.ge [sflag:s29], $0x50  }
0x50: {  	[sflag:s29] =	ssyncset.done $0x0  }
0x51: {  	[sflag:s29] =	ssyncadd.s32 $0xFFFFFFB0  }
0x52: {  	[tilespmem:s30], [sflag:$0x4] =	stream.indirect.gather [hbm4b:s4+s24], $0x80, s26, s24, $0xb8;
	[tilespmem:$0x1C980] =	vst v63  }
0x53: {  	s11 =	sadd.s32 $0x0, s19  }
0x54: {  	[tilespmem:s22], [sflag:$0x1] =	stream.linear.gather [hbm4b:s11+s3], $0x50, $0x38;
	[tilespmem:$0x1C980] =	vst v63  }
0x55: {  	_ =	swait.ge [sflag:s31], $0x2800  }
0x56: {  	[sflag:s31] =	ssyncset.done $0x0  }
0x57: {  	[sflag:s31] =	ssyncadd.s32 $0xFFFFD800  }
0x58: {  	_ =	swait.ge [sflag:s1], $0x2800  }
0x59: {  	[sflag:s1] =	ssyncset.done $0x0  }
0x5a: {  	s12 =	simm.s32 $0x180;
	[sflag:s1] =	ssyncadd.s32 $0xFFFFD800  }
0x5b: {  	[spmem:s2] =	stream.indirect.scatter.add.f32 [tilespmem:s30], [sflag:$0x6], $0x80, s12, s24, $0xb8;
	[tilespmem:$0x1C980] =	vst v63  }
0x5c: {  	_ =	swait.ge [sflag:s23], $0x50  }
0x5d: {  	s8 =	simm.s32 $0x14;
	[sflag:s23] =	ssyncset.done $0x0  }
0x5e: {  	s9 =	simm.s32 $0x280;
	s11 =	sadd.s32 $0x0, s18;
	[sflag:s23] =	ssyncadd.s32 $0xFFFFFFB0  }
0x5f: {  	[tilespmem:s25], [sflag:$0x3] =	stream.indirect.gather [hbm4b:s4+s24], $0x80, s22, s24, $0xb8;
	[tilespmem:$0x1C980] =	vst v63  }
.LBB2_2:
0x60: {  	[tilespmem:s26], [sflag:$0x2] =	stream.linear.gather [hbm4b:s11+s3], $0x50, $0x38;
	[tilespmem:$0x1C980] =	vst v63  }
0x61: {  	s11 =	smov.u32 s8  }
0x62: {  	p1 =	sne.s32 s8, $0x49C;
	s8 =	sadd.s32 $0x14, s8;
	_ =	swait.ge [sflag:s28], $0x2800  }
0x63: {  	[sflag:s28] =	ssyncset.done $0x0  }
0x64: {  	[sflag:s28] =	ssyncadd.s32 $0xFFFFD800  }
0x65: {  	_ =	swait.ge [sflag:s0], $0x2800  }
0x66: {  	[sflag:s0] =	ssyncset.done $0x0  }
0x67: {  	s12 =	sadd.s32 $0xFFFFFF80, s9;
	[sflag:s0] =	ssyncadd.s32 $0xFFFFD800  }
0x68: {  	[spmem:s2] =	stream.indirect.scatter.add.f32 [tilespmem:s25], [sflag:$0x5], $0x80, s12, s24, $0xb8;
	[tilespmem:$0x1C980] =	vst v63  }
0x69: {  	_ =	swait.ge [sflag:s29], $0x50  }
0x6a: {  	[sflag:s29] =	ssyncset.done $0x0  }
0x6b: {  	[sflag:s29] =	ssyncadd.s32 $0xFFFFFFB0  }
0x6c: {  	[tilespmem:s30], [sflag:$0x4] =	stream.indirect.gather [hbm4b:s4+s24], $0x80, s26, s24, $0xb8;
	[tilespmem:$0x1C980] =	vst v63  }
0x6d: {  	s12 =	sadd.s32 s11, s19  }
0x6e: {  	[tilespmem:s22], [sflag:$0x1] =	stream.linear.gather [hbm4b:s12+s3], $0x50, $0x38;
	[tilespmem:$0x1C980] =	vst v63  }
0x6f: {  	_ =	swait.ge [sflag:s31], $0x2800  }
0x70: {  	[sflag:s31] =	ssyncset.done $0x0  }
0x71: {  	[sflag:s31] =	ssyncadd.s32 $0xFFFFD800  }
0x72: {  	_ =	swait.ge [sflag:s1], $0x2800  }
0x73: {  	[sflag:s1] =	ssyncset.done $0x0  }
0x74: {  	[sflag:s1] =	ssyncadd.s32 $0xFFFFD800  }
0x75: {  	[spmem:s2] =	stream.indirect.scatter.add.f32 [tilespmem:s30], [sflag:$0x6], $0x80, s9, s24, $0xb8;
	[tilespmem:$0x1C980] =	vst v63  }
.Ltmp0:
0x76: {  	_ =	swait.ge [sflag:s23], $0x50;
	(pc) =	sbr.rel @p1 .LBB2_2-.Ltmp0, $4  }
0x77: {  	[sflag:s23] =	ssyncset.done $0x0  }
0x78: {  	[sflag:s23] =	ssyncadd.s32 $0xFFFFFFB0  }
0x79: {  	[tilespmem:s25], [sflag:$0x3] =	stream.indirect.gather [hbm4b:s4+s24], $0x80, s22, s24, $0xb8;
	[tilespmem:$0x1C980] =	vst v63  }
0x7a: {  	s11 =	sadd.s32 s11, s18;
	s9 =	sadd.s32 $0x100, s9  }
0x7b: {  	[tilespmem:s26], [sflag:$0x2] =	stream.linear.gather [hbm4b:s11+s3], $0x50, $0x38;
	[tilespmem:$0x1C980] =	vst v63  }
0x7c: {  	_ =	swait.ge [sflag:s28], $0x2800  }
0x7d: {  	[sflag:s28] =	ssyncset.done $0x0  }
0x7e: {  	[sflag:s28] =	ssyncadd.s32 $0xFFFFD800  }
0x7f: {  	_ =	swait.ge [sflag:s0], $0x2800  }
0x80: {  	[sflag:s0] =	ssyncset.done $0x0  }
0x81: {  	s8 =	simm.s32 $0x3D00;
	[sflag:s0] =	ssyncadd.s32 $0xFFFFD800  }
0x82: {  	[spmem:s2] =	stream.indirect.scatter.add.f32 [tilespmem:s25], [sflag:$0x5], $0x80, s8, s24, $0xb8;
	[tilespmem:$0x1C980] =	vst v63  }
0x83: {  	_ =	swait.ge [sflag:s29], $0x50  }
0x84: {  	[sflag:s29] =	ssyncset.done $0x0  }
0x85: {  	[sflag:s29] =	ssyncadd.s32 $0xFFFFFFB0  }
0x86: {  	[tilespmem:s30], [sflag:$0x4] =	stream.indirect.gather [hbm4b:s4+s24], $0x80, s26, s24, $0xb8;
	[tilespmem:$0x1C980] =	vst v63  }
0x87: {  	_ = 	snop  }
0x88: {  	[tilespmem:s22], [sflag:$0x1] =	stream.linear.gather [hbm4b:s17+s3], $0x50, $0x38;
	[tilespmem:$0x1C980] =	vst v63  }
0x89: {  	_ =	swait.ge [sflag:s31], $0x2800  }
0x8a: {  	[sflag:s31] =	ssyncset.done $0x0  }
0x8b: {  	[sflag:s31] =	ssyncadd.s32 $0xFFFFD800  }
0x8c: {  	_ =	swait.ge [sflag:s1], $0x2800  }
0x8d: {  	[sflag:s1] =	ssyncset.done $0x0  }
0x8e: {  	s11 =	simm.s32 $0x3D80;
	[sflag:s1] =	ssyncadd.s32 $0xFFFFD800  }
0x8f: {  	[spmem:s2] =	stream.indirect.scatter.add.f32 [tilespmem:s30], [sflag:$0x6], $0x80, s11, s24, $0xb8;
	[tilespmem:$0x1C980] =	vst v63  }
0x90: {  	_ =	swait.ge [sflag:s23], $0x50  }
0x91: {  	[sflag:s23] =	ssyncset.done $0x0  }
0x92: {  	[sflag:s23] =	ssyncadd.s32 $0xFFFFFFB0  }
0x93: {  	[tilespmem:s25], [sflag:$0x3] =	stream.indirect.gather [hbm4b:s4+s24], $0x80, s22, s24, $0xb8;
	[tilespmem:$0x1C980] =	vst v63  }
0x94: {  	_ =	swait.ge [sflag:s28], $0x2800  }
0x95: {  	[sflag:s28] =	ssyncset.done $0x0  }
0x96: {  	[sflag:s28] =	ssyncadd.s32 $0xFFFFD800  }
0x97: {  	_ =	swait.ge [sflag:s0], $0x2800  }
0x98: {  	[sflag:s0] =	ssyncset.done $0x0  }
0x99: {  	s12 =	simm.s32 $0x3E00;
	[sflag:s0] =	ssyncadd.s32 $0xFFFFD800  }
0x9a: {  	[spmem:s2] =	stream.indirect.scatter.add.f32 [tilespmem:s25], [sflag:$0x5], $0x80, s12, s24, $0xb8;
	[tilespmem:$0x1C980] =	vst v63  }
0x9b: {  	_ =	swait.ge [sflag:s1], $0x2800  }
0x9c: {  	[sflag:s1] =	ssyncset.done $0x0  }
0x9d: {  	[sflag:s1] =	ssyncadd.s32 $0xFFFFD800  }
0x9e: {  	[bflag:$0x0] =	sbarrier.arrive $0xFFFF  }
0x9f: {  	[hbm:s14], [sflag:s6] =	dma.local [spmem:s20], $0x2700  }
0xa0: {  	_ =	swait.ge [sflag:s21], $0x2700  }
0xa1: {  	s5 =	sadd.s32 $0x1, s5;
	[sflag:s21] =	ssyncset.done $0x0  }
0xa2: {  	p1 =	sne.s32 s5, s16;
	[sflag:s21] =	ssyncadd.s32 $0xFFFFD900  }
0xa3: {  	[hbm:s15], [sflag:s6] =	dma.local @!p0 [spmem:s7], $0x100  }
.Ltmp1:
0xa4: {  	_ = 	snop;
	(pc) =	sbr.rel @p1 .LBB2_1-.Ltmp1, $4  }
0xa5: {  	s7 =	simm.s32 @!p0 $0x7  }
0xa6: {  	_ =	swait.ge @!p0 [sflag:s7], $0x100  }
0xa7: {  	[sflag:s7] =	ssyncset.done @!p0 $0x0  }
0xa8: {  	[sflag:s7] =	ssyncadd.s32 @!p0 $0xFFFFFF00  }
0xa9: {  	_ =	sfence.sel $0x180000  }
0xaa: {  	[bflag:$0x0] =	sbarrier.arrive $0xFFFF  }
0xab: {  	_ =	strace $0x9000004D  }
0xac: {  	s0 =	stileid.u32;
	[bflag:$0x2] =	sbarrier.arrive $0xFFFF  }
0xad: {  	p0 =	sne.s32 s0, $0x0;
	s0 =	rddreg [dreg:$0x2]  }
0xae: {  	s0 =	sadd.s32 @!p0 $0x100000, s0  }
0xaf: {  	[sflag:s0] =	ssyncadd.tile.s32 @!p0 $0x1;
	_ =	shalt  }
.Lfunc_end2:
_tile_overlayer_lowered:
.L_overlay_start_2:
0xb0: {  	(tag) =	ssettag $0x2  }
0xb1: {  	s0 =	rddreg [dreg:$0x0];
	s2 =	stileid.u32  }
0xb2: {  	s1 =	rddreg [dreg:$0x1];
	p0 =	sne.s32 s2, $0x0  }
0xb3: {  	s3 =	rddreg [dreg:$0x2];
	[bflag:$0x3] =	sbarrier.arrive $0xFFFF;
	s2 =	simm.s32 @!p0 $0x1C07  }
0xb4: {  	[timem:s3], [sflag:s2] =	dma.local @!p0 [hbm:s0], s1  }
0xb5: {  	s0 =	simm.s32 @!p0 $0x7  }
0xb6: {  	_ =	swait.ge @!p0 [sflag:s0], s1  }
0xb7: {  	s1 =	ssub.s32 @!p0 $0x0, s1;
	[sflag:s0] =	ssyncset.done @!p0 $0x0  }
0xb8: {  	[sflag:s0] =	ssyncadd.s32 @!p0 s1  }
0xb9: {  	[bflag:$0x3] =	sbarrier.arrive $0xFFFF  }
0xba: {  	_ =	shalt  }

// kernel: kernel.8.cloned.1.call-start
scs
__scs_entry_jumppad:
0x0: {  	(pc) =	sbr.rel $0x88, $3  }
0x1: {  	(tag) =	ssettag $0x0;
	lr =	simm.s32 $0x1  }
0x2: {  	[smem:$0x3F92] =	sst lr;
	_ =	strace $0xD0000000  }
0x3: {  	_ = 	snop  }
0x4: {  	_ = 	snop  }
0x5: {  	_ = 	snop  }
0x6: {  	_ = 	snop  }
0x7: {  	_ = 	snop  }
__scs_overlays_trampoline_lowered:
0x8: {  	[smem:$0x3FA1] =	sst s0  }
0x9: {  	[smem:$0x3FA2] =	sst s1  }
0xa: {  	[smem:$0x3FA3] =	sst s2  }
0xb: {  	[smem:$0x3FA4] =	sst s3  }
0xc: {  	[smem:$0x3FA5] =	sst s4  }
0xd: {  	[smem:$0x3FA6] =	sst s5  }
0xe: {  	[smem:$0x3FA7] =	sst s6  }
0xf: {  	[smem:$0x3FA8] =	sst s7  }
0x10: {  	[smem:$0x3FA9] =	sst s8  }
0x11: {  	[smem:$0x3FAA] =	sst s9;
	s0 =	simm.s32 @!p0 $0x0  }
0x12: {  	s1 =	sld [smem:$0x3F90];
	s0 =	simm.s32 @p0 $0x1  }
0x13: {  	[smem:$0x3FAB] =	sst s0;
	s0 =	simm.s32 @!p1 $0x0  }
0x14: {  	s2 =	sld [smem:$0x3F8F];
	s0 =	simm.s32 @p1 $0x1  }
0x15: {  	[smem:$0x3FAC] =	sst s0;
	s0 =	simm.s32 @!p2 $0x0  }
0x16: {  	s3 =	sld [smem:$0x3FDB];
	s0 =	simm.s32 @p2 $0x1  }
0x17: {  	s4 =	simm.s32 $0x1BF5;
	[smem:$0x3FAE] =	sst s0  }
0x18: {  	s0 =	sld [smem:$0x3F91];
	_ =	swait.ge [sflag:s4], $0x0  }
0x19: {  	s7 =	sld [smem:$0x3F92]  }
0x1a: {  	s8 =	sadd.s32 $0xFFFFE003, lr  }
0x1b: {  	s9 =	sadd.s32 $0xFFFFFEF7, lr;
	s5 =	simm.s32 $0xFFFFFFFF;
	p2 =	slt.u32 s8, $0xFFFFF086  }
0x1c: {  	p1 =	slt.u32 s9, $0xF7A;
	s5 =	simm.s32 @!p2 $0x0  }
0x1d: {  	s5 =	simm.s32 @p1 $0x1;
	p0 =	seq.s32 s7, s2  }
0x1e: {  	s7 =	smul.u32 @!p0 $0xF7A, s2;
	p2 =	seq.s32 @!p0 s5, $0x0  }
0x1f: {  	s9 =	smul.u32 $0xF7A, s1;
	s8 =	simm.s32 @!p0 $0x1BF5;
	p2 =	por !p2, p0  }
0x20: {  	[sflag:s8] =	ssyncset.s32 @!p0 $0xFFFFF086;
	s6 =	sadd.s32 @!p0 s3, s7;
	s7 =	simm.s32 @!p0 $0x108  }
0x21: {  	s3 =	sadd.s32 s3, s9;
	s6 =	sadd.s32 @!p0 $0x88, s6;
	s7 =	simm.s32 @p2 $0x1082  }
0x22: {  	[simem:s7], [sflag:s8] =	dma.local @!p0 [hbm:s6], $0xF7A  }
0x23: {  	s9 =	sor.u32 $0xD0000000, s2;
	s6 =	simm.s32 $0x108;
	_ =	swait.ge @!p0 [sflag:s8], $0x0  }
0x24: {  	s3 =	sadd.s32 $0x88, s3;
	s6 =	simm.s32 @!p1 $0x1082;
	[sflag:s4] =	ssyncset.s32 $0xFFFFF086  }
0x25: {  	[simem:s6], [sflag:s4] =	dma.local [hbm:s3], $0xF7A  }
0x26: {  	[smem:$0x3F92] =	sst s1;
	(tag) =	ssettag s2;
	_ =	strace s9  }
0x27: {  	s1 =	sld [smem:$0x3FA2]  }
0x28: {  	s2 =	sld [smem:$0x3FA3]  }
0x29: {  	s4 =	sld [smem:$0x3FA5]  }
0x2a: {  	p0 =	seq.s32 s5, $0x0;
	s5 =	sld [smem:$0x3FA6]  }
0x2b: {  	s6 =	sld [smem:$0x3FA7]  }
0x2c: {  	s7 =	sld [smem:$0x3FA8]  }
0x2d: {  	s3 =	simm.s32 $0x108;
	s8 =	sld [smem:$0x3FA9]  }
0x2e: {  	s3 =	simm.s32 @!p0 $0x1082;
	s9 =	sld [smem:$0x3FAA]  }
0x2f: {  	lr =	sadd.s32 s0, s3;
	s0 =	sld [smem:$0x3FA1]  }
0x30: {  	s3 =	sld [smem:$0x3FA4]  }
0x31: {  	[smem:$0x3FAD] =	sst s10  }
0x32: {  	s10 =	sld [smem:$0x3FAB];
	_ =	sdelay $0x3  }
0x33: {  	p0 =	seq.s32 s10, $0x1;
	s10 =	sld [smem:$0x3FAD];
	_ =	sdelay $0x3  }
0x34: {  	[smem:$0x3FAD] =	sst s10  }
0x35: {  	s10 =	sld [smem:$0x3FAC];
	_ =	sdelay $0x3  }
0x36: {  	p1 =	seq.s32 s10, $0x1;
	s10 =	sld [smem:$0x3FAD];
	_ =	sdelay $0x3  }
0x37: {  	[smem:$0x3FAD] =	sst s10  }
0x38: {  	s10 =	sld [smem:$0x3FAE]  }
0x39: {  	_ = 	snop;
	(pc) =	sbr.ind lr, $3  }
0x3a: {  	_ = 	snop  }
0x3b: {  	_ = 	snop  }
0x3c: {  	p2 =	seq.s32 s10, $0x1;
	s10 =	sld [smem:$0x3FAD]  }
0x3d: {  	_ =	shalt  }
0x3e: {  	_ =	shalt  }
0x3f: {  	_ =	shalt  }
0x40: {  	_ =	shalt  }
0x41: {  	_ =	shalt  }
0x42: {  	_ =	shalt  }
0x43: {  	_ =	shalt  }
0x44: {  	_ =	shalt  }
0x45: {  	_ =	shalt  }
0x46: {  	_ =	shalt  }
0x47: {  	_ =	shalt  }
0x48: {  	_ =	shalt  }
0x49: {  	_ =	shalt  }
0x4a: {  	_ =	shalt  }
0x4b: {  	_ =	shalt  }
0x4c: {  	_ =	shalt  }
0x4d: {  	_ =	shalt  }
0x4e: {  	_ =	shalt  }
0x4f: {  	_ =	shalt  }
0x50: {  	_ =	shalt  }
0x51: {  	_ =	shalt  }
0x52: {  	_ =	shalt  }
0x53: {  	_ =	shalt  }
0x54: {  	_ =	shalt  }
0x55: {  	_ =	shalt  }
0x56: {  	_ =	shalt  }
0x57: {  	_ =	shalt  }
0x58: {  	_ =	shalt  }
0x59: {  	_ =	shalt  }
0x5a: {  	_ =	shalt  }
0x5b: {  	_ =	shalt  }
0x5c: {  	_ =	shalt  }
0x5d: {  	_ =	shalt  }
0x5e: {  	_ =	shalt  }
0x5f: {  	_ =	shalt  }
0x60: {  	_ =	shalt  }
0x61: {  	_ =	shalt  }
0x62: {  	_ =	shalt  }
0x63: {  	_ =	shalt  }
0x64: {  	_ =	shalt  }
0x65: {  	_ =	shalt  }
0x66: {  	_ =	shalt  }
0x67: {  	_ =	shalt  }
0x68: {  	_ =	shalt  }
0x69: {  	_ =	shalt  }
0x6a: {  	_ =	shalt  }
0x6b: {  	_ =	shalt  }
0x6c: {  	_ =	shalt  }
0x6d: {  	_ =	shalt  }
0x6e: {  	_ =	shalt  }
0x6f: {  	_ =	shalt  }
0x70: {  	_ =	shalt  }
0x71: {  	_ =	shalt  }
0x72: {  	_ =	shalt  }
0x73: {  	_ =	shalt  }
0x74: {  	_ =	shalt  }
0x75: {  	_ =	shalt  }
0x76: {  	_ =	shalt  }
0x77: {  	_ =	shalt  }
0x78: {  	_ =	shalt  }
0x79: {  	_ =	shalt  }
0x7a: {  	_ =	shalt  }
0x7b: {  	_ =	shalt  }
0x7c: {  	_ =	shalt  }
0x7d: {  	_ =	shalt  }
0x7e: {  	_ =	shalt  }
0x7f: {  	_ =	shalt  }
0x80: {  	_ =	shalt  }
0x81: {  	_ =	shalt  }
0x82: {  	_ =	shalt  }
0x83: {  	_ =	shalt  }
0x84: {  	_ =	shalt  }
0x85: {  	_ =	shalt  }
0x86: {  	_ =	shalt  }
0x87: {  	_ =	shalt  }
.Lfunc_end0:
.L_simem_size_0:
called_computation_lowered:
.L_overlay_start_0:
0x88: {  	s2 =	sld [smem:$0x3FD9]  }
0x89: {  	s3 =	sld [smem:$0x3FFE];
	_ =	sdelay $0x1  }
0x8a: {  	s1 =	srdreg.scid  }
0x8b: {  	s0 =	sand.u32 $0x1, s1  }
0x8c: {  	s16 =	sshll.u32 s0, $0xA;
	s2 =	sadd.s32 s3, s2  }
0x8d: {  	s2 =	sadd.s32 s2, s16  }
0x8e: {  	[smem:$0x3FB9] =	sst s2  }
0x8f: {  	_ = 	snop  }
0x90: {  	(tm) =	ssettm $0x1  }
0x91: {  	s17 =	sld [smem:$0x3FFB];
	_ =	sdelay $0x3  }
0x92: {  	_ =	strace s17  }
0x93: {  	s2 =	sld [smem:$0x3FFC];
	_ =	sdelay $0x3  }
0x94: {  	_ =	strace s2  }
0x95: {  	s2 =	sld [smem:$0x3FFD];
	_ =	sdelay $0x3  }
0x96: {  	_ =	strace s2  }
0x97: {  	_ =	strace $0x8FFFFFFF  }
0x98: {  	s18 =	sld [smem:$0x3FDB];
	_ =	sdelay $0x1  }
0x99: {  	s19 =	simm.s32 $_scs_section_size  }
0x9a: {  	s4 =	simm.s32 $_size__tile_overlayer_lowered;
	s5 =	simm.s32 $_tile_overlayer_lowered  }
0x9b: {  	s22 =	simm.s32 $0x1BFF;
	s21 =	sshll.u32 s5, $0x1;
	s2 =	sadd.s32 s19, s18  }
0x9c: {  	s6 =	simm.s32 $0x0;
	s20 =	sshll.u32 s4, $0x1;
	s4 =	sadd.s32 s21, s2  }
0x9d: {  	[timem:s6], [sflag:s22] =	dma.local [hbm:s4], s20  }
0x9e: {  	_ =	swait.ge [sflag:s22], s20  }
0x9f: {  	s3 =	ssub.s32 $0x0, s20;
	[sflag:s22] =	ssyncset.done $0x0  }
0xa0: {  	[sflag:s22] =	ssyncadd.s32 s3;
	_ =	sdelay $0x1  }
0xa1: {  	s23 =	simm.s32 $0x1B8B  }
0xa2: {  	_ =	swait.ge [sflag:s23], $0x1  }
0xa3: {  	[sflag:s23] =	ssyncset.done $0x0  }
0xa4: {  	s25 =	simm.s32 $0x1B8E;
	s24 =	sld [smem:$0x3FFE];
	[sflag:s23] =	ssyncadd.s32 $0xFFFFFFFF  }
0xa5: {  	s26 =	simm.s32 $execute0_lowered;
	[smem:$0x3FD2] =	sst s25  }
0xa6: {  	s4 =	sshll.u32 s26, $0x1;
	_ =	strace $0x80000046;
	[dreg:$0x1] =	wrdreg $0xFFFFFFFF  }
0xa7: {  	s28 =	simm.s32 $_size_execute0_lowered;
	s2 =	sadd.s32 s2, s4;
	[dreg:$0x0] =	wrdreg $0x0  }
0xa8: {  	s4 =	sshll.u32 s28, $0x1;
	[dreg:$0x2] =	wrdreg s2  }
0xa9: {  	[dreg:$0x3] =	wrdreg s4  }
0xaa: {  	[dreg:$0x4] =	wrdreg $0xC0  }
0xab: {  	_ =	task [dreg:s6], $0x5FFFF  }
0xac: {  	[dreg:$0x1] =	wrdreg $0xFFFFFFFF  }
0xad: {  	[dreg:$0x0] =	wrdreg $0x60  }
0xae: {  	[dreg:$0x2] =	wrdreg s24  }
0xaf: {  	[dreg:$0x3] =	wrdreg $0x68000  }
0xb0: {  	[dreg:$0x4] =	wrdreg $0x9  }
0xb1: {  	_ =	task.clear_ibuf [dreg:s6], $0x5FFFF;
	_ =	strace $0x90000046  }
0xb2: {  	s29 =	simm.s32 $0x9;
	_ =	strace $0x80000048  }
0xb3: {  	_ =	swait.ge [sflag:s29], $0x1  }
0xb4: {  	[sflag:s29] =	ssyncadd.s32 $0xFFFFFFFF  }
0xb5: {  	_ =	strace $0x90000048  }
0xb6: {  	_ =	sfence  }
0xb7: {  	s30 =	sld [smem:$0x0];
	_ =	sdelay $0x2  }
0xb8: {  	s31 =	sshll.u32 s1, $0xD;
	s1 =	sshrl.u32 s1, $0x2  }
0xb9: {  	s3 =	sand.u32 $0x4000, s31;
	s1 =	sadd.s32 s1, s30  }
0xba: {  	s0 =	sor.u32 s3, s0;
	s1 =	sshll.u32 s1, $0x11  }
0xbb: {  	s0 =	sor.u32 s1, s0  }
0xbc: {  	s0 =	sadd.s32 $0x8F2B, s0  }
0xbd: {  	[sflag:s0] =	ssyncadd.remote.s32 $0x1  }
0xbe: {  	_ =	sfence.sel $0xFFFF  }
0xbf: {  	[dreg:$0x0] =	wrdreg $0xFFFFFFFF;
	(pc) =	sbr.abs _section_cstart, $3  }
0xc0: {  	[dreg:$0x1] =	wrdreg $0xFFFFFFFF  }
0xc1: {  	_ =	task.clear_ibuf [dreg:s6], $0x2FFFF;
	_ =	strace $0x9FFFFFFF  }
0xc2: {  	(tm) =	ssettm $0x7FFFFFFF  }
0xc3: {  	_ =	shalt  }
tec
execute0_lowered:
.L_overlay_start_1:
0x0: {  	(tag) =	ssettag $0x1  }
0x1: {  	s7 =	rddreg [dreg:$0x0]  }
0x2: {  	s1 =	rddreg [dreg:$0x1]  }
0x3: {  	s0 =	rddreg [dreg:$0x2];
	s2 =	srdreg.scid  }
0x4: {  	s3 =	simm.s32 $0x0;
	s16 =	simm.s32 $0x50;
	s17 =	simm.s32 $0x80  }
0x5: {  	s18 =	simm.s32 $0x1;
	s19 =	simm.s32 $0x2;
	s20 =	simm.s32 $0x3E00  }
0x6: {  	s21 =	simm.s32 $0x0;
	s6 =	sand.u32 $0x1, s2;
	s2 =	stileid.u32  }
0x7: {  	[smem:$0x7FF] =	sst s3;
	s13 =	sadd.s32 $0x45200, s7;
	s15 =	sadd.s32 $0x138000, s1  }
0x8: {  	s4 =	sshll.u32 s6, $0xB;
	s8 =	smul.u32 $0x13800, s2;
	_ =	strace $0x80000047  }
0x9: {  	s5 =	smul.u32 $0x4E000, s2;
	s11 =	ssub.s32 $0x2, s6;
	s29 =	sshll.u32 s2, $0x6  }
0xa: {  	s14 =	smul.u32 $0x138800, s6;
	s30 =	sshll.u32 s2, $0xC;
	p0 =	sne.s32 s2, $0xF  }
0xb: {  	s9 =	sadd.s32 s4, s7;
	s4 =	sadd.s32 $0x44C00, s7;
	s12 =	sshrl.u32 s11, $0x1  }
0xc: {  	s6 =	sor.u32 $0x1C03, s29;
	s10 =	sshrl.u32 s8, $0x3;
	s5 =	sshrl.u32 s5, $0x2  }
0xd: {  	s11 =	ssub.s32 s11, s12;
	s8 =	sadd.s32 s8, s14;
	s14 =	sshrl.u32 s14, $0x3  }
0xe: {  	s9 =	sadd.s32 s30, s9;
	s10 =	sadd.s32 s10, s7;
	s28 =	sadd.s32 s5, s1  }
0xf: {  	s7 =	sadd.s32 $0x44A00, s7;
	s31 =	sshrl.u32 s8, $0x3;
	s14 =	sadd.s32 s13, s14  }
0x10: {  	s8 =	sadd.s32 $0xDA00, s9;
	s11 =	smax.u32 s11, $0x1;
	s5 =	sadd.s32 $0x1DA00, s10  }
0x11: {  	s9 =	sadd.s32 s13, s31;
	s10 =	sadd.s32 $0x27000, s14;
	s12 =	sshrl.u32 s28, $0x3  }
0x12: {  	s13 =	simm.s32 $0x3;
	s14 =	sshrl.u32 @!p0 s15, $0x3;
	s15 =	simm.s32 $0x4000  }
.LBB2_1:
0x13: {  	[spmem:s12], [sflag:s6] =	dma.local [hbm:s5], $0x2700  }
0x14: {  	_ =	swait.ge [sflag:s13], $0x2700  }
0x15: {  	[sflag:s13] =	ssyncset.done $0x0  }
0x16: {  	s22 =	simm.s32 @!p0 $0x3;
	[sflag:s13] =	ssyncadd.s32 $0xFFFFD900  }
0x17: {  	[spmem:s14], [sflag:s6] =	dma.local @!p0 [hbm:s7], $0x100  }
0x18: {  	_ =	swait.ge @!p0 [sflag:s22], $0x100  }
0x19: {  	[sflag:s22] =	ssyncset.done @!p0 $0x0  }
0x1a: {  	[sflag:s22] =	ssyncadd.s32 @!p0 $0xFFFFFF00  }
0x1b: {  	[tilespmem:s15], [sflag:$0x3] =	stream.linear.gather [hbm4b:s4+s3], $0x2800, $0x38;
	[tilespmem:$0x1A080] =	vst v63  }
0x1c: {  	_ =	swait.ge [sflag:s13], $0x2800  }
0x1d: {  	[sflag:s13] =	ssyncset.done $0x0  }
0x1e: {  	[sflag:s13] =	ssyncadd.s32 $0xFFFFD800  }
0x1f: {  	[tilespmem:s3], [sflag:$0x3] =	stream.linear.gather [hbm4b:s8+s3], $0x3E80, $0x38;
	[tilespmem:$0x1A080] =	vst v63  }
0x20: {  	_ =	swait.ge [sflag:s13], $0x3E80  }
0x21: {  	[sflag:s13] =	ssyncset.done $0x0  }
0x22: {  	[sflag:s13] =	ssyncadd.s32 $0xFFFFC180  }
0x23: {  	[bflag:$0x0] =	sbarrier.arrive $0xFFFF  }
0x24: {  	[spmem:s1] =	stream.indirect.scatter.add.f32 [tilespmem:s15], [sflag:$0x1], $0x80, s3, s16, $0xb8;
	[tilespmem:$0x1A080] =	vst v63  }
0x25: {  	_ = 	snop  }
0x26: {  	[spmem:s1] =	stream.indirect.scatter.add.f32 [tilespmem:s15], [sflag:$0x2], $0x80, s17, s16, $0xb8;
	[tilespmem:$0x1A080] =	vst v63  }
0x27: {  	_ =	swait.ge [sflag:s18], $0x2800  }
0x28: {  	[sflag:s18] =	ssyncset.done $0x0  }
0x29: {  	s31 =	simm.s32 $0x100;
	[sflag:s18] =	ssyncadd.s32 $0xFFFFD800  }
0x2a: {  	[spmem:s1] =	stream.indirect.scatter.add.f32 [tilespmem:s15], [sflag:$0x1], $0x80, s31, s16, $0xb8;
	[tilespmem:$0x1A080] =	vst v63  }
0x2b: {  	_ =	swait.ge [sflag:s19], $0x2800  }
0x2c: {  	[sflag:s19] =	ssyncset.done $0x0  }
0x2d: {  	s23 =	simm.s32 $0x180;
	s22 =	simm.s32 $0xFFFF1000;
	[sflag:s19] =	ssyncadd.s32 $0xFFFFD800  }
.LBB2_2:
0x2e: {  	[spmem:s1] =	stream.indirect.scatter.add.f32 [tilespmem:s15], [sflag:$0x2], $0x80, s23, s16, $0xb8;
	[tilespmem:$0x1A080] =	vst v63  }
0x2f: {  	s23 =	smov.u32 s22  }
0x30: {  	p1 =	sne.s32 s22, $0xFFFFFC00;
	s22 =	sadd.s32 $0x400, s22;
	_ =	swait.ge [sflag:s18], $0x2800  }
0x31: {  	s23 =	sshra.s32 s23, $0x2;
	[sflag:s18] =	ssyncset.done $0x0  }
.Ltmp0:
0x32: {  	s24 =	sadd.s32 $0x3E00, s23;
	[sflag:s18] =	ssyncadd.s32 $0xFFFFD800;
	(pc) =	sbr.rel @p1 .LBB2_2-.Ltmp0, $4  }
0x33: {  	[spmem:s1] =	stream.indirect.scatter.add.f32 [tilespmem:s15], [sflag:$0x1], $0x80, s24, s16, $0xb8;
	[tilespmem:$0x1A080] =	vst v63  }
0x34: {  	_ =	swait.ge [sflag:s19], $0x2800  }
0x35: {  	[sflag:s19] =	ssyncset.done $0x0  }
0x36: {  	s23 =	sadd.s32 $0x3E80, s23;
	[sflag:s19] =	ssyncadd.s32 $0xFFFFD800  }
0x37: {  	[spmem:s1] =	stream.indirect.scatter.add.f32 [tilespmem:s15], [sflag:$0x2], $0x80, s23, s16, $0xb8;
	[tilespmem:$0x1A080] =	vst v63  }
0x38: {  	_ =	swait.ge [sflag:s18], $0x2800  }
0x39: {  	[sflag:s18] =	ssyncset.done $0x0  }
0x3a: {  	[sflag:s18] =	ssyncadd.s32 $0xFFFFD800  }
0x3b: {  	[spmem:s1] =	stream.indirect.scatter.add.f32 [tilespmem:s15], [sflag:$0x1], $0x80, s20, s16, $0xb8;
	[tilespmem:$0x1A080] =	vst v63  }
0x3c: {  	_ =	swait.ge [sflag:s19], $0x2800  }
0x3d: {  	[sflag:s19] =	ssyncset.done $0x0  }
0x3e: {  	[sflag:s19] =	ssyncadd.s32 $0xFFFFD800  }
0x3f: {  	_ =	swait.ge [sflag:s18], $0x2800  }
0x40: {  	[sflag:s18] =	ssyncset.done $0x0  }
0x41: {  	[sflag:s18] =	ssyncadd.s32 $0xFFFFD800  }
0x42: {  	[bflag:$0x0] =	sbarrier.arrive $0xFFFF  }
0x43: {  	[hbm:s9], [sflag:s6] =	dma.local [spmem:s12], $0x2700  }
0x44: {  	s21 =	sadd.s32 $0x1, s21;
	_ =	swait.ge [sflag:s13], $0x2700  }
0x45: {  	p1 =	sne.s32 s21, s11;
	[sflag:s13] =	ssyncset.done $0x0  }
.Ltmp1:
0x46: {  	s22 =	simm.s32 @!p0 $0x3;
	[sflag:s13] =	ssyncadd.s32 $0xFFFFD900;
	(pc) =	sbr.rel @p1 .LBB2_1-.Ltmp1, $4  }
0x47: {  	[hbm:s10], [sflag:s6] =	dma.local @!p0 [spmem:s14], $0x100  }
0x48: {  	_ =	swait.ge @!p0 [sflag:s22], $0x100  }
0x49: {  	[sflag:s22] =	ssyncset.done @!p0 $0x0  }
0x4a: {  	[sflag:s22] =	ssyncadd.s32 @!p0 $0xFFFFFF00  }
0x4b: {  	_ =	sfence.sel $0x180000  }
0x4c: {  	[bflag:$0x0] =	sbarrier.arrive $0xFFFF  }
0x4d: {  	p0 =	sne.s32 s2, $0x0;
	_ =	strace $0x90000047  }
0x4e: {  	s0 =	sadd.s32 @!p0 $0x100000, s0;
	[bflag:$0x2] =	sbarrier.arrive $0xFFFF  }
0x4f: {  	[sflag:s0] =	ssyncadd.tile.s32 @!p0 $0x1;
	_ =	shalt  }
.Lfunc_end2:
_tile_overlayer_lowered:
.L_overlay_start_2:
0x50: {  	(tag) =	ssettag $0x2  }
0x51: {  	s0 =	rddreg [dreg:$0x0];
	s2 =	stileid.u32  }
0x52: {  	s1 =	rddreg [dreg:$0x1];
	p0 =	sne.s32 s2, $0x0  }
0x53: {  	s3 =	rddreg [dreg:$0x2];
	[bflag:$0x3] =	sbarrier.arrive $0xFFFF;
	s2 =	simm.s32 @!p0 $0x1C03  }
0x54: {  	[timem:s3], [sflag:s2] =	dma.local @!p0 [hbm:s0], s1  }
0x55: {  	s0 =	simm.s32 @!p0 $0x3  }
0x56: {  	_ =	swait.ge @!p0 [sflag:s0], s1  }
0x57: {  	s1 =	ssub.s32 @!p0 $0x0, s1;
	[sflag:s0] =	ssyncset.done @!p0 $0x0  }
0x58: {  	[sflag:s0] =	ssyncadd.s32 @!p0 s1  }
0x59: {  	[bflag:$0x3] =	sbarrier.arrive $0xFFFF  }
0x5a: {  	_ =	shalt  }

</sc_bundles>
